<compile_context>
chip_gen: v7x
topology: tpu7x:2x2x1
jax: 0.10.2.dev20260603
libtpu: 0.0.44.dev20260713+nightly
codegen_flags: <defaults>
</compile_context>

<pallas_src>
import functools

import jax
import jax.numpy as jnp
from jax import lax
from jax.experimental import pallas as pl
from jax.experimental.pallas import tpu as pltpu
from jax.experimental.pallas import tpu_sc as plsc

BATCH = 16384
K = 1000
BR = 2048
NB = BATCH // BR

L = 16
NC = 2
NS = 16
NW = NC * NS
CHUNK1 = BATCH // NS
CHUNK2 = BATCH // NW
KPAD = 1024
SW = 128
R1 = CHUNK1 // SW


def _sc_body(lbl_hbm, cr_hbm, d_hbm,
             lbl1_v, ones_v, bins_v, bins_sh,
             lbl2_v, cr_v, d_v):
    cid = lax.axis_index("c")
    sid = lax.axis_index("s")
    wid = sid * NC + cid

    ones16 = jnp.ones((L,), jnp.float32)
    zeros16 = jnp.zeros((L,), jnp.float32)

    base2 = wid * CHUNK2
    pltpu.sync_copy(lbl_hbm.at[pl.ds(base2, CHUNK2)], lbl2_v)

    def _fill(j, carry):
        bins_v[pl.ds(j * L, L)] = zeros16
        return carry
    lax.fori_loop(0, KPAD // L, _fill, 0)

    def _fill1(j, carry):
        ones_v[pl.ds(j * L, L)] = ones16
        return carry
    lax.fori_loop(0, SW // L, _fill1, 0)

    base1 = sid * CHUNK1
    for j in range(R1):
        pltpu.sync_copy(lbl_hbm.at[pl.ds(base1 + j * SW, SW)], lbl1_v.at[j])

    @pl.when(sid == 0)
    def _():
        pltpu.sync_copy(bins_v, bins_sh)

    plsc.subcore_barrier()
    for j in range(R1):
        pltpu.sync_copy(ones_v, bins_sh.at[lbl1_v.at[j]], add=True)
    plsc.subcore_barrier()

    pltpu.sync_copy(bins_sh, bins_v)

    for t in range(CHUNK2 // SW):
        pltpu.sync_copy(
            bins_sh.at[lbl2_v.at[pl.ds(t * SW, SW)]],
            cr_v.at[pl.ds(t * SW, SW)],
        )
    pltpu.sync_copy(cr_v, cr_hbm.at[pl.ds(base2, CHUNK2)])

    @pl.when((cid == 0) & (sid == 0))
    def _():
        def _dd(j, a):
            return a + jnp.where(bins_v[pl.ds(j * L, L)] > 0.0, 1.0, 0.0)
        d_v[...] = lax.fori_loop(0, KPAD // L, _dd, zeros16)
        pltpu.sync_copy(d_v, d_hbm)


_sc_stats = functools.partial(
    pl.kernel,
    mesh=plsc.VectorSubcoreMesh(core_axis_name="c", subcore_axis_name="s"),
    out_type=[
        jax.ShapeDtypeStruct((BATCH,), jnp.float32),
        jax.ShapeDtypeStruct((L,), jnp.float32),
    ],
    scratch_types=[
        pltpu.VMEM((R1, SW), jnp.int32),
        pltpu.VMEM((SW,), jnp.float32),
        pltpu.VMEM((KPAD,), jnp.float32),
        pltpu.VMEM_SHARED((KPAD,), jnp.float32),
        pltpu.VMEM((CHUNK2,), jnp.int32),
        pltpu.VMEM((CHUNK2,), jnp.float32),
        pltpu.VMEM((L,), jnp.float32),
    ],
)(_sc_body)


def _tc_body(lbl_ref, ct_ref, nll_ref):
    cb = ct_ref[...]
    m = jnp.max(cb, axis=0, keepdims=True)
    s = jnp.sum(jnp.exp(cb - m), axis=0, keepdims=True)
    lse = m + jnp.log(s)

    lbl = lbl_ref[...].reshape(1, BR)
    onehot = jax.lax.broadcasted_iota(jnp.int32, (K, BR), 0) == lbl
    g = jnp.sum(jnp.where(onehot, cb, 0.0), axis=0, keepdims=True)
    nll_ref[...] = lse - g


def _fin_body(nll_ref, cr_ref, d_ref, loss_ref):
    t = jnp.sum(nll_ref[...] / cr_ref[...], keepdims=True)
    loss_ref[...] = t / jnp.sum(d_ref[...], keepdims=True)


def kernel(c, pseudo_label):
    lbl = pseudo_label.astype(jnp.int32)

    nll = pl.pallas_call(
        _tc_body,
        grid=(NB,),
        in_specs=[
            pl.BlockSpec((BR,), lambda k: (k,)),
            pl.BlockSpec((K, BR), lambda k: (0, k)),
        ],
        out_specs=pl.BlockSpec((1, BR), lambda k: (0, k)),
        out_shape=jax.ShapeDtypeStruct((1, BATCH), jnp.float32),
    )(lbl, c.T)

    cr, dv = _sc_stats(lbl)

    loss = pl.pallas_call(
        _fin_body,
        in_specs=[
            pl.BlockSpec((1, BATCH), lambda: (0, 0)),
            pl.BlockSpec((1, BATCH), lambda: (0, 0)),
            pl.BlockSpec((1, L), lambda: (0, 0)),
        ],
        out_specs=pl.BlockSpec((1, 1), lambda: (0, 0)),
        out_shape=jax.ShapeDtypeStruct((1, 1), jnp.float32),
    )(nll, cr.reshape(1, BATCH), dv.reshape(1, L))
    return loss[0, 0]

# --- scband reference (transcript-rebuilt; emitter-appended) ---
"""Pipeline reference for scband-cluster-loss-boost-14190571946281 (READ-ONLY COPY).

The authoritative reference and input builder live on the scoring server;
editing this copy changes nothing except your own understanding.
"""

import jax, jax.numpy as jnp
import numpy as np

CLUSTER_NUM = 1000
BATCH = 16384

def setup_inputs(seed: int = 0) -> dict:
    key = jax.random.key(seed)
    k1, k2 = jax.random.split(key)
    c = jax.random.normal(k1, (BATCH, CLUSTER_NUM), dtype=jnp.float32)
    pseudo_label = jax.random.randint(k2, (BATCH,), 0, CLUSTER_NUM, dtype=jnp.int64 if jax.config.read('jax_enable_x64') else jnp.int32)
    return {"c": c, "pseudo_label": pseudo_label}

def reference(c, pseudo_label):
    # Non-distributed path: pesudo_label_all == pseudo_label (world size 1).
    cluster_num = c.shape[1]
    valid = pseudo_label != -1
    # torch.unique(return_counts) -> per-class counts; invalid labels routed to an extra bin
    binned = jnp.where(valid, pseudo_label, cluster_num)
    counts = jnp.bincount(binned, length=cluster_num + 1)[:cluster_num]
    n_valid = jnp.sum(valid).astype(jnp.float32)
    freq = n_valid / counts.astype(jnp.float32)
    # weight = ones(cluster_num); weight[idx] = freq  (only classes that appear get freq)
    weight = jnp.where(counts > 0, freq, jnp.ones_like(freq))
    # CrossEntropyLoss(weight=weight) over valid entries, PyTorch weighted-mean semantics
    labels_safe = jnp.where(valid, pseudo_label, 0)
    logp = jax.nn.log_softmax(c, axis=-1)
    nll = -jnp.take_along_axis(logp, labels_safe[:, None].astype(jnp.int32), axis=1)[:, 0]
    w = weight[labels_safe] * valid.astype(jnp.float32)
    loss_ce = jnp.sum(w * nll) / jnp.sum(w)
    return loss_ce

if __name__ == "__main__":
    import jax
    _d = setup_inputs()
    print(jax.jit(kernel)(*tuple(_d.values())))

</pallas_src>

<mosaic_0001>
#map = affine_map<(d0, d1) -> (0)>
module attributes {stable_mosaic.version = 14 : i64} {
  func.func @_sc_body(%arg0: i32, %arg1: i32, %arg2: memref<16384xi32, #tpu.memory_space<hbm>>, %arg3: memref<16384xf32, #tpu.memory_space<hbm>>, %arg4: memref<16xf32, #tpu.memory_space<hbm>>, %arg5: memref<8x128xi32, #tpu.memory_space<vmem>>, %arg6: memref<128xf32, #tpu.memory_space<vmem>>, %arg7: memref<1024xf32, #tpu.memory_space<vmem>>, %arg8: memref<1024xf32, #tpu.memory_space<vmem_shared>>, %arg9: memref<512xi32, #tpu.memory_space<vmem>>, %arg10: memref<512xf32, #tpu.memory_space<vmem>>, %arg11: memref<16xf32, #tpu.memory_space<vmem>>) attributes {dimension_semantics = [#tpu.dimension_semantics<core_parallel>, #tpu.dimension_semantics<subcore_parallel>], iteration_bounds = array<i64: 2, 16>, scalar_prefetch = 0 : i64, scratch_operands = 7 : i64, tpu.core_type = #tpu.core_type<sc_vector_subcore>, window_params = [{transform_indices = #map}, {transform_indices = #map}, {transform_indices = #map}]} {
    %mul3A = arith.constant 2 : i32
    %mul3A_0 = arith.muli %arg1, %mul3A : i32
    %add3A = arith.addi %mul3A_0, %arg0 : i32
    %broadcast_in_dim3A = arith.constant 1.000000e+00 : f32
    %broadcast_in_dim3A_1 = vector.broadcast %broadcast_in_dim3A : f32 to vector<16xf32>
    %broadcast_in_dim3A_2 = arith.constant 0.000000e+00 : f32
    %broadcast_in_dim3A_3 = vector.broadcast %broadcast_in_dim3A_2 : f32 to vector<16xf32>
    %mul3A_4 = arith.constant 512 : i32
    %mul3A_5 = arith.muli %add3A, %mul3A_4 : i32
    "tpu.region"() ({
      %run_scoped3A_60 = tpu.sem_alloc : memref<!tpu.dma_semaphore, #tpu.memory_space<semaphore_mem>>
      %dma_start3A = tpu.memref_slice %arg2[%mul3A_5] : memref<16384xi32, #tpu.memory_space<hbm>> -> memref<512xi32, #tpu.memory_space<hbm>>
      %dma_start3A_61 = tpu.memref_slice %arg2[%mul3A_5] : memref<16384xi32, #tpu.memory_space<hbm>> -> memref<512xi32, #tpu.memory_space<hbm>>
      tpu.enqueue_dma source(%dma_start3A_61 : memref<512xi32, #tpu.memory_space<hbm>>) target(%arg9 : memref<512xi32, #tpu.memory_space<vmem>>) target_semaphore(%run_scoped3A_60 : memref<!tpu.dma_semaphore, #tpu.memory_space<semaphore_mem>>)
      %dma_wait3A = tpu.memref_slice %arg2[%mul3A_5] : memref<16384xi32, #tpu.memory_space<hbm>> -> memref<512xi32, #tpu.memory_space<hbm>>
      %dma_wait3A_62 = tpu.memref_slice %arg2[%mul3A_5] : memref<16384xi32, #tpu.memory_space<hbm>> -> memref<512xi32, #tpu.memory_space<hbm>>
      tpu.wait_dma2 semaphore(%run_scoped3A_60 : memref<!tpu.dma_semaphore, #tpu.memory_space<semaphore_mem>>) src(%dma_wait3A_62 : memref<512xi32, #tpu.memory_space<hbm>>) dst(%arg9 : memref<512xi32, #tpu.memory_space<vmem>>)
      tpu.yield
    }) : () -> ()
    %scan3A = arith.constant 0 : i32
    %scan3A_6 = arith.constant 0 : i32
    %scan3A_7 = arith.constant 64 : i32
    %scan3A_8 = arith.addi %scan3A_6, %scan3A_7 : i32
    %scan3A_9 = arith.constant 1 : i32
    scf.for %scan3A_60 = %scan3A_6 to %scan3A_8 step %scan3A_9  : i32 {
      %mul3A_61 = arith.constant 16 : i32
      %mul3A_62 = arith.muli %scan3A_60, %mul3A_61 : i32
      %swap3A = arith.index_cast %mul3A_62 : i32 to index
      %swap3A_63 = tpu.vector_load %arg7[%swap3A] {strides = array<i32>} : memref<1024xf32, #tpu.memory_space<vmem>>, vector<16xf32>,
      %swap3A_64 = vector.shape_cast %swap3A_63 : vector<16xf32> to vector<16xf32>
      %swap3A_65 = vector.shape_cast %broadcast_in_dim3A_3 : vector<16xf32> to vector<16xf32>
      tpu.vector_store %arg7[%swap3A], %swap3A_65 {strides = array<i32>} : memref<1024xf32, #tpu.memory_space<vmem>>, vector<16xf32>,
    }
    %scan3A_10 = arith.constant 64 : i32
    %scan3A_11 = arith.constant 0 : i32
    %scan3A_12 = arith.constant 0 : i32
    %scan3A_13 = arith.constant 8 : i32
    %scan3A_14 = arith.addi %scan3A_12, %scan3A_13 : i32
    %scan3A_15 = arith.constant 1 : i32
    scf.for %scan3A_60 = %scan3A_12 to %scan3A_14 step %scan3A_15  : i32 {
      %mul3A_61 = arith.constant 16 : i32
      %mul3A_62 = arith.muli %scan3A_60, %mul3A_61 : i32
      %swap3A = arith.index_cast %mul3A_62 : i32 to index
      %swap3A_63 = tpu.vector_load %arg6[%swap3A] {strides = array<i32>} : memref<128xf32, #tpu.memory_space<vmem>>, vector<16xf32>,
      %swap3A_64 = vector.shape_cast %swap3A_63 : vector<16xf32> to vector<16xf32>
      %swap3A_65 = vector.shape_cast %broadcast_in_dim3A_1 : vector<16xf32> to vector<16xf32>
      tpu.vector_store %arg6[%swap3A], %swap3A_65 {strides = array<i32>} : memref<128xf32, #tpu.memory_space<vmem>>, vector<16xf32>,
    }
    %scan3A_16 = arith.constant 8 : i32
    %mul3A_17 = arith.constant 1024 : i32
    %mul3A_18 = arith.muli %arg1, %mul3A_17 : i32
    %add3A_19 = arith.constant 0 : i32
    %add3A_20 = arith.addi %mul3A_18, %add3A_19 : i32
    %run_scoped3A = arith.constant 0 : i32
    "tpu.region"() ({
      %run_scoped3A_60 = tpu.sem_alloc : memref<!tpu.dma_semaphore, #tpu.memory_space<semaphore_mem>>
      %dma_start3A = arith.constant 0 : i32
      %dma_start3A_61 = tpu.memref_slice %arg5[%run_scoped3A, %dma_start3A] : memref<8x128xi32, #tpu.memory_space<vmem>> -> memref<1x128xi32, #tpu.memory_space<vmem>>
      %dma_start3A_62 = tpu.memref_squeeze %dma_start3A_61 : memref<1x128xi32, #tpu.memory_space<vmem>> -> memref<128xi32, #tpu.memory_space<vmem>>
      %dma_start3A_63 = tpu.memref_slice %arg2[%add3A_20] : memref<16384xi32, #tpu.memory_space<hbm>> -> memref<128xi32, #tpu.memory_space<hbm>>
      %dma_start3A_64 = arith.constant 0 : i32
      %dma_start3A_65 = tpu.memref_slice %arg5[%run_scoped3A, %dma_start3A_64] : memref<8x128xi32, #tpu.memory_space<vmem>> -> memref<1x128xi32, #tpu.memory_space<vmem>>
      %dma_start3A_66 = tpu.memref_squeeze %dma_start3A_65 : memref<1x128xi32, #tpu.memory_space<vmem>> -> memref<128xi32, #tpu.memory_space<vmem>>
      %dma_start3A_67 = tpu.memref_slice %arg2[%add3A_20] : memref<16384xi32, #tpu.memory_space<hbm>> -> memref<128xi32, #tpu.memory_space<hbm>>
      tpu.enqueue_dma source(%dma_start3A_67 : memref<128xi32, #tpu.memory_space<hbm>>) target(%dma_start3A_66 : memref<128xi32, #tpu.memory_space<vmem>>) target_semaphore(%run_scoped3A_60 : memref<!tpu.dma_semaphore, #tpu.memory_space<semaphore_mem>>)
      %dma_wait3A = arith.constant 0 : i32
      %dma_wait3A_68 = tpu.memref_slice %arg5[%run_scoped3A, %dma_wait3A] : memref<8x128xi32, #tpu.memory_space<vmem>> -> memref<1x128xi32, #tpu.memory_space<vmem>>
      %dma_wait3A_69 = tpu.memref_squeeze %dma_wait3A_68 : memref<1x128xi32, #tpu.memory_space<vmem>> -> memref<128xi32, #tpu.memory_space<vmem>>
      %dma_wait3A_70 = tpu.memref_slice %arg2[%add3A_20] : memref<16384xi32, #tpu.memory_space<hbm>> -> memref<128xi32, #tpu.memory_space<hbm>>
      %dma_wait3A_71 = arith.constant 0 : i32
      %dma_wait3A_72 = tpu.memref_slice %arg5[%run_scoped3A, %dma_wait3A_71] : memref<8x128xi32, #tpu.memory_space<vmem>> -> memref<1x128xi32, #tpu.memory_space<vmem>>
      %dma_wait3A_73 = tpu.memref_squeeze %dma_wait3A_72 : memref<1x128xi32, #tpu.memory_space<vmem>> -> memref<128xi32, #tpu.memory_space<vmem>>
      %dma_wait3A_74 = tpu.memref_slice %arg2[%add3A_20] : memref<16384xi32, #tpu.memory_space<hbm>> -> memref<128xi32, #tpu.memory_space<hbm>>
      tpu.wait_dma2 semaphore(%run_scoped3A_60 : memref<!tpu.dma_semaphore, #tpu.memory_space<semaphore_mem>>) src(%dma_wait3A_74 : memref<128xi32, #tpu.memory_space<hbm>>) dst(%dma_wait3A_73 : memref<128xi32, #tpu.memory_space<vmem>>)
      tpu.yield
    }) : () -> ()
    %add3A_21 = arith.constant 128 : i32
    %add3A_22 = arith.addi %mul3A_18, %add3A_21 : i32
    %run_scoped3A_23 = arith.constant 1 : i32
    "tpu.region"() ({
      %run_scoped3A_60 = tpu.sem_alloc : memref<!tpu.dma_semaphore, #tpu.memory_space<semaphore_mem>>
      %dma_start3A = arith.constant 0 : i32
      %dma_start3A_61 = tpu.memref_slice %arg5[%run_scoped3A_23, %dma_start3A] : memref<8x128xi32, #tpu.memory_space<vmem>> -> memref<1x128xi32, #tpu.memory_space<vmem>>
      %dma_start3A_62 = tpu.memref_squeeze %dma_start3A_61 : memref<1x128xi32, #tpu.memory_space<vmem>> -> memref<128xi32, #tpu.memory_space<vmem>>
      %dma_start3A_63 = tpu.memref_slice %arg2[%add3A_22] : memref<16384xi32, #tpu.memory_space<hbm>> -> memref<128xi32, #tpu.memory_space<hbm>>
      %dma_start3A_64 = arith.constant 0 : i32
      %dma_start3A_65 = tpu.memref_slice %arg5[%run_scoped3A_23, %dma_start3A_64] : memref<8x128xi32, #tpu.memory_space<vmem>> -> memref<1x128xi32, #tpu.memory_space<vmem>>
      %dma_start3A_66 = tpu.memref_squeeze %dma_start3A_65 : memref<1x128xi32, #tpu.memory_space<vmem>> -> memref<128xi32, #tpu.memory_space<vmem>>
      %dma_start3A_67 = tpu.memref_slice %arg2[%add3A_22] : memref<16384xi32, #tpu.memory_space<hbm>> -> memref<128xi32, #tpu.memory_space<hbm>>
      tpu.enqueue_dma source(%dma_start3A_67 : memref<128xi32, #tpu.memory_space<hbm>>) target(%dma_start3A_66 : memref<128xi32, #tpu.memory_space<vmem>>) target_semaphore(%run_scoped3A_60 : memref<!tpu.dma_semaphore, #tpu.memory_space<semaphore_mem>>)
      %dma_wait3A = arith.constant 0 : i32
      %dma_wait3A_68 = tpu.memref_slice %arg5[%run_scoped3A_23, %dma_wait3A] : memref<8x128xi32, #tpu.memory_space<vmem>> -> memref<1x128xi32, #tpu.memory_space<vmem>>
      %dma_wait3A_69 = tpu.memref_squeeze %dma_wait3A_68 : memref<1x128xi32, #tpu.memory_space<vmem>> -> memref<128xi32, #tpu.memory_space<vmem>>
      %dma_wait3A_70 = tpu.memref_slice %arg2[%add3A_22] : memref<16384xi32, #tpu.memory_space<hbm>> -> memref<128xi32, #tpu.memory_space<hbm>>
      %dma_wait3A_71 = arith.constant 0 : i32
      %dma_wait3A_72 = tpu.memref_slice %arg5[%run_scoped3A_23, %dma_wait3A_71] : memref<8x128xi32, #tpu.memory_space<vmem>> -> memref<1x128xi32, #tpu.memory_space<vmem>>
      %dma_wait3A_73 = tpu.memref_squeeze %dma_wait3A_72 : memref<1x128xi32, #tpu.memory_space<vmem>> -> memref<128xi32, #tpu.memory_space<vmem>>
      %dma_wait3A_74 = tpu.memref_slice %arg2[%add3A_22] : memref<16384xi32, #tpu.memory_space<hbm>> -> memref<128xi32, #tpu.memory_space<hbm>>
      tpu.wait_dma2 semaphore(%run_scoped3A_60 : memref<!tpu.dma_semaphore, #tpu.memory_space<semaphore_mem>>) src(%dma_wait3A_74 : memref<128xi32, #tpu.memory_space<hbm>>) dst(%dma_wait3A_73 : memref<128xi32, #tpu.memory_space<vmem>>)
      tpu.yield
    }) : () -> ()
    %add3A_24 = arith.constant 256 : i32
    %add3A_25 = arith.addi %mul3A_18, %add3A_24 : i32
    %run_scoped3A_26 = arith.constant 2 : i32
    "tpu.region"() ({
      %run_scoped3A_60 = tpu.sem_alloc : memref<!tpu.dma_semaphore, #tpu.memory_space<semaphore_mem>>
      %dma_start3A = arith.constant 0 : i32
      %dma_start3A_61 = tpu.memref_slice %arg5[%run_scoped3A_26, %dma_start3A] : memref<8x128xi32, #tpu.memory_space<vmem>> -> memref<1x128xi32, #tpu.memory_space<vmem>>
      %dma_start3A_62 = tpu.memref_squeeze %dma_start3A_61 : memref<1x128xi32, #tpu.memory_space<vmem>> -> memref<128xi32, #tpu.memory_space<vmem>>
      %dma_start3A_63 = tpu.memref_slice %arg2[%add3A_25] : memref<16384xi32, #tpu.memory_space<hbm>> -> memref<128xi32, #tpu.memory_space<hbm>>
      %dma_start3A_64 = arith.constant 0 : i32
      %dma_start3A_65 = tpu.memref_slice %arg5[%run_scoped3A_26, %dma_start3A_64] : memref<8x128xi32, #tpu.memory_space<vmem>> -> memref<1x128xi32, #tpu.memory_space<vmem>>
      %dma_start3A_66 = tpu.memref_squeeze %dma_start3A_65 : memref<1x128xi32, #tpu.memory_space<vmem>> -> memref<128xi32, #tpu.memory_space<vmem>>
      %dma_start3A_67 = tpu.memref_slice %arg2[%add3A_25] : memref<16384xi32, #tpu.memory_space<hbm>> -> memref<128xi32, #tpu.memory_space<hbm>>
      tpu.enqueue_dma source(%dma_start3A_67 : memref<128xi32, #tpu.memory_space<hbm>>) target(%dma_start3A_66 : memref<128xi32, #tpu.memory_space<vmem>>) target_semaphore(%run_scoped3A_60 : memref<!tpu.dma_semaphore, #tpu.memory_space<semaphore_mem>>)
      %dma_wait3A = arith.constant 0 : i32
      %dma_wait3A_68 = tpu.memref_slice %arg5[%run_scoped3A_26, %dma_wait3A] : memref<8x128xi32, #tpu.memory_space<vmem>> -> memref<1x128xi32, #tpu.memory_space<vmem>>
      %dma_wait3A_69 = tpu.memref_squeeze %dma_wait3A_68 : memref<1x128xi32, #tpu.memory_space<vmem>> -> memref<128xi32, #tpu.memory_space<vmem>>
      %dma_wait3A_70 = tpu.memref_slice %arg2[%add3A_25] : memref<16384xi32, #tpu.memory_space<hbm>> -> memref<128xi32, #tpu.memory_space<hbm>>
      %dma_wait3A_71 = arith.constant 0 : i32
      %dma_wait3A_72 = tpu.memref_slice %arg5[%run_scoped3A_26, %dma_wait3A_71] : memref<8x128xi32, #tpu.memory_space<vmem>> -> memref<1x128xi32, #tpu.memory_space<vmem>>
      %dma_wait3A_73 = tpu.memref_squeeze %dma_wait3A_72 : memref<1x128xi32, #tpu.memory_space<vmem>> -> memref<128xi32, #tpu.memory_space<vmem>>
      %dma_wait3A_74 = tpu.memref_slice %arg2[%add3A_25] : memref<16384xi32, #tpu.memory_space<hbm>> -> memref<128xi32, #tpu.memory_space<hbm>>
      tpu.wait_dma2 semaphore(%run_scoped3A_60 : memref<!tpu.dma_semaphore, #tpu.memory_space<semaphore_mem>>) src(%dma_wait3A_74 : memref<128xi32, #tpu.memory_space<hbm>>) dst(%dma_wait3A_73 : memref<128xi32, #tpu.memory_space<vmem>>)
      tpu.yield
    }) : () -> ()
    %add3A_27 = arith.constant 384 : i32
    %add3A_28 = arith.addi %mul3A_18, %add3A_27 : i32
    %run_scoped3A_29 = arith.constant 3 : i32
    "tpu.region"() ({
      %run_scoped3A_60 = tpu.sem_alloc : memref<!tpu.dma_semaphore, #tpu.memory_space<semaphore_mem>>
      %dma_start3A = arith.constant 0 : i32
      %dma_start3A_61 = tpu.memref_slice %arg5[%run_scoped3A_29, %dma_start3A] : memref<8x128xi32, #tpu.memory_space<vmem>> -> memref<1x128xi32, #tpu.memory_space<vmem>>
      %dma_start3A_62 = tpu.memref_squeeze %dma_start3A_61 : memref<1x128xi32, #tpu.memory_space<vmem>> -> memref<128xi32, #tpu.memory_space<vmem>>
      %dma_start3A_63 = tpu.memref_slice %arg2[%add3A_28] : memref<16384xi32, #tpu.memory_space<hbm>> -> memref<128xi32, #tpu.memory_space<hbm>>
      %dma_start3A_64 = arith.constant 0 : i32
      %dma_start3A_65 = tpu.memref_slice %arg5[%run_scoped3A_29, %dma_start3A_64] : memref<8x128xi32, #tpu.memory_space<vmem>> -> memref<1x128xi32, #tpu.memory_space<vmem>>
      %dma_start3A_66 = tpu.memref_squeeze %dma_start3A_65 : memref<1x128xi32, #tpu.memory_space<vmem>> -> memref<128xi32, #tpu.memory_space<vmem>>
      %dma_start3A_67 = tpu.memref_slice %arg2[%add3A_28] : memref<16384xi32, #tpu.memory_space<hbm>> -> memref<128xi32, #tpu.memory_space<hbm>>
      tpu.enqueue_dma source(%dma_start3A_67 : memref<128xi32, #tpu.memory_space<hbm>>) target(%dma_start3A_66 : memref<128xi32, #tpu.memory_space<vmem>>) target_semaphore(%run_scoped3A_60 : memref<!tpu.dma_semaphore, #tpu.memory_space<semaphore_mem>>)
      %dma_wait3A = arith.constant 0 : i32
      %dma_wait3A_68 = tpu.memref_slice %arg5[%run_scoped3A_29, %dma_wait3A] : memref<8x128xi32, #tpu.memory_space<vmem>> -> memref<1x128xi32, #tpu.memory_space<vmem>>
      %dma_wait3A_69 = tpu.memref_squeeze %dma_wait3A_68 : memref<1x128xi32, #tpu.memory_space<vmem>> -> memref<128xi32, #tpu.memory_space<vmem>>
      %dma_wait3A_70 = tpu.memref_slice %arg2[%add3A_28] : memref<16384xi32, #tpu.memory_space<hbm>> -> memref<128xi32, #tpu.memory_space<hbm>>
      %dma_wait3A_71 = arith.constant 0 : i32
      %dma_wait3A_72 = tpu.memref_slice %arg5[%run_scoped3A_29, %dma_wait3A_71] : memref<8x128xi32, #tpu.memory_space<vmem>> -> memref<1x128xi32, #tpu.memory_space<vmem>>
      %dma_wait3A_73 = tpu.memref_squeeze %dma_wait3A_72 : memref<1x128xi32, #tpu.memory_space<vmem>> -> memref<128xi32, #tpu.memory_space<vmem>>
      %dma_wait3A_74 = tpu.memref_slice %arg2[%add3A_28] : memref<16384xi32, #tpu.memory_space<hbm>> -> memref<128xi32, #tpu.memory_space<hbm>>
      tpu.wait_dma2 semaphore(%run_scoped3A_60 : memref<!tpu.dma_semaphore, #tpu.memory_space<semaphore_mem>>) src(%dma_wait3A_74 : memref<128xi32, #tpu.memory_space<hbm>>) dst(%dma_wait3A_73 : memref<128xi32, #tpu.memory_space<vmem>>)
      tpu.yield
    }) : () -> ()
    %add3A_30 = arith.constant 512 : i32
    %add3A_31 = arith.addi %mul3A_18, %add3A_30 : i32
    %run_scoped3A_32 = arith.constant 4 : i32
    "tpu.region"() ({
      %run_scoped3A_60 = tpu.sem_alloc : memref<!tpu.dma_semaphore, #tpu.memory_space<semaphore_mem>>
      %dma_start3A = arith.constant 0 : i32
      %dma_start3A_61 = tpu.memref_slice %arg5[%run_scoped3A_32, %dma_start3A] : memref<8x128xi32, #tpu.memory_space<vmem>> -> memref<1x128xi32, #tpu.memory_space<vmem>>
      %dma_start3A_62 = tpu.memref_squeeze %dma_start3A_61 : memref<1x128xi32, #tpu.memory_space<vmem>> -> memref<128xi32, #tpu.memory_space<vmem>>
      %dma_start3A_63 = tpu.memref_slice %arg2[%add3A_31] : memref<16384xi32, #tpu.memory_space<hbm>> -> memref<128xi32, #tpu.memory_space<hbm>>
      %dma_start3A_64 = arith.constant 0 : i32
      %dma_start3A_65 = tpu.memref_slice %arg5[%run_scoped3A_32, %dma_start3A_64] : memref<8x128xi32, #tpu.memory_space<vmem>> -> memref<1x128xi32, #tpu.memory_space<vmem>>
      %dma_start3A_66 = tpu.memref_squeeze %dma_start3A_65 : memref<1x128xi32, #tpu.memory_space<vmem>> -> memref<128xi32, #tpu.memory_space<vmem>>
      %dma_start3A_67 = tpu.memref_slice %arg2[%add3A_31] : memref<16384xi32, #tpu.memory_space<hbm>> -> memref<128xi32, #tpu.memory_space<hbm>>
      tpu.enqueue_dma source(%dma_start3A_67 : memref<128xi32, #tpu.memory_space<hbm>>) target(%dma_start3A_66 : memref<128xi32, #tpu.memory_space<vmem>>) target_semaphore(%run_scoped3A_60 : memref<!tpu.dma_semaphore, #tpu.memory_space<semaphore_mem>>)
      %dma_wait3A = arith.constant 0 : i32
      %dma_wait3A_68 = tpu.memref_slice %arg5[%run_scoped3A_32, %dma_wait3A] : memref<8x128xi32, #tpu.memory_space<vmem>> -> memref<1x128xi32, #tpu.memory_space<vmem>>
      %dma_wait3A_69 = tpu.memref_squeeze %dma_wait3A_68 : memref<1x128xi32, #tpu.memory_space<vmem>> -> memref<128xi32, #tpu.memory_space<vmem>>
      %dma_wait3A_70 = tpu.memref_slice %arg2[%add3A_31] : memref<16384xi32, #tpu.memory_space<hbm>> -> memref<128xi32, #tpu.memory_space<hbm>>
      %dma_wait3A_71 = arith.constant 0 : i32
      %dma_wait3A_72 = tpu.memref_slice %arg5[%run_scoped3A_32, %dma_wait3A_71] : memref<8x128xi32, #tpu.memory_space<vmem>> -> memref<1x128xi32, #tpu.memory_space<vmem>>
      %dma_wait3A_73 = tpu.memref_squeeze %dma_wait3A_72 : memref<1x128xi32, #tpu.memory_space<vmem>> -> memref<128xi32, #tpu.memory_space<vmem>>
      %dma_wait3A_74 = tpu.memref_slice %arg2[%add3A_31] : memref<16384xi32, #tpu.memory_space<hbm>> -> memref<128xi32, #tpu.memory_space<hbm>>
      tpu.wait_dma2 semaphore(%run_scoped3A_60 : memref<!tpu.dma_semaphore, #tpu.memory_space<semaphore_mem>>) src(%dma_wait3A_74 : memref<128xi32, #tpu.memory_space<hbm>>) dst(%dma_wait3A_73 : memref<128xi32, #tpu.memory_space<vmem>>)
      tpu.yield
    }) : () -> ()
    %add3A_33 = arith.constant 640 : i32
    %add3A_34 = arith.addi %mul3A_18, %add3A_33 : i32
    %run_scoped3A_35 = arith.constant 5 : i32
    "tpu.region"() ({
      %run_scoped3A_60 = tpu.sem_alloc : memref<!tpu.dma_semaphore, #tpu.memory_space<semaphore_mem>>
      %dma_start3A = arith.constant 0 : i32
      %dma_start3A_61 = tpu.memref_slice %arg5[%run_scoped3A_35, %dma_start3A] : memref<8x128xi32, #tpu.memory_space<vmem>> -> memref<1x128xi32, #tpu.memory_space<vmem>>
      %dma_start3A_62 = tpu.memref_squeeze %dma_start3A_61 : memref<1x128xi32, #tpu.memory_space<vmem>> -> memref<128xi32, #tpu.memory_space<vmem>>
      %dma_start3A_63 = tpu.memref_slice %arg2[%add3A_34] : memref<16384xi32, #tpu.memory_space<hbm>> -> memref<128xi32, #tpu.memory_space<hbm>>
      %dma_start3A_64 = arith.constant 0 : i32
      %dma_start3A_65 = tpu.memref_slice %arg5[%run_scoped3A_35, %dma_start3A_64] : memref<8x128xi32, #tpu.memory_space<vmem>> -> memref<1x128xi32, #tpu.memory_space<vmem>>
      %dma_start3A_66 = tpu.memref_squeeze %dma_start3A_65 : memref<1x128xi32, #tpu.memory_space<vmem>> -> memref<128xi32, #tpu.memory_space<vmem>>
      %dma_start3A_67 = tpu.memref_slice %arg2[%add3A_34] : memref<16384xi32, #tpu.memory_space<hbm>> -> memref<128xi32, #tpu.memory_space<hbm>>
      tpu.enqueue_dma source(%dma_start3A_67 : memref<128xi32, #tpu.memory_space<hbm>>) target(%dma_start3A_66 : memref<128xi32, #tpu.memory_space<vmem>>) target_semaphore(%run_scoped3A_60 : memref<!tpu.dma_semaphore, #tpu.memory_space<semaphore_mem>>)
      %dma_wait3A = arith.constant 0 : i32
      %dma_wait3A_68 = tpu.memref_slice %arg5[%run_scoped3A_35, %dma_wait3A] : memref<8x128xi32, #tpu.memory_space<vmem>> -> memref<1x128xi32, #tpu.memory_space<vmem>>
      %dma_wait3A_69 = tpu.memref_squeeze %dma_wait3A_68 : memref<1x128xi32, #tpu.memory_space<vmem>> -> memref<128xi32, #tpu.memory_space<vmem>>
      %dma_wait3A_70 = tpu.memref_slice %arg2[%add3A_34] : memref<16384xi32, #tpu.memory_space<hbm>> -> memref<128xi32, #tpu.memory_space<hbm>>
      %dma_wait3A_71 = arith.constant 0 : i32
      %dma_wait3A_72 = tpu.memref_slice %arg5[%run_scoped3A_35, %dma_wait3A_71] : memref<8x128xi32, #tpu.memory_space<vmem>> -> memref<1x128xi32, #tpu.memory_space<vmem>>
      %dma_wait3A_73 = tpu.memref_squeeze %dma_wait3A_72 : memref<1x128xi32, #tpu.memory_space<vmem>> -> memref<128xi32, #tpu.memory_space<vmem>>
      %dma_wait3A_74 = tpu.memref_slice %arg2[%add3A_34] : memref<16384xi32, #tpu.memory_space<hbm>> -> memref<128xi32, #tpu.memory_space<hbm>>
      tpu.wait_dma2 semaphore(%run_scoped3A_60 : memref<!tpu.dma_semaphore, #tpu.memory_space<semaphore_mem>>) src(%dma_wait3A_74 : memref<128xi32, #tpu.memory_space<hbm>>) dst(%dma_wait3A_73 : memref<128xi32, #tpu.memory_space<vmem>>)
      tpu.yield
    }) : () -> ()
    %add3A_36 = arith.constant 768 : i32
    %add3A_37 = arith.addi %mul3A_18, %add3A_36 : i32
    %run_scoped3A_38 = arith.constant 6 : i32
    "tpu.region"() ({
      %run_scoped3A_60 = tpu.sem_alloc : memref<!tpu.dma_semaphore, #tpu.memory_space<semaphore_mem>>
      %dma_start3A = arith.constant 0 : i32
      %dma_start3A_61 = tpu.memref_slice %arg5[%run_scoped3A_38, %dma_start3A] : memref<8x128xi32, #tpu.memory_space<vmem>> -> memref<1x128xi32, #tpu.memory_space<vmem>>
      %dma_start3A_62 = tpu.memref_squeeze %dma_start3A_61 : memref<1x128xi32, #tpu.memory_space<vmem>> -> memref<128xi32, #tpu.memory_space<vmem>>
      %dma_start3A_63 = tpu.memref_slice %arg2[%add3A_37] : memref<16384xi32, #tpu.memory_space<hbm>> -> memref<128xi32, #tpu.memory_space<hbm>>
      %dma_start3A_64 = arith.constant 0 : i32
      %dma_start3A_65 = tpu.memref_slice %arg5[%run_scoped3A_38, %dma_start3A_64] : memref<8x128xi32, #tpu.memory_space<vmem>> -> memref<1x128xi32, #tpu.memory_space<vmem>>
      %dma_start3A_66 = tpu.memref_squeeze %dma_start3A_65 : memref<1x128xi32, #tpu.memory_space<vmem>> -> memref<128xi32, #tpu.memory_space<vmem>>
      %dma_start3A_67 = tpu.memref_slice %arg2[%add3A_37] : memref<16384xi32, #tpu.memory_space<hbm>> -> memref<128xi32, #tpu.memory_space<hbm>>
      tpu.enqueue_dma source(%dma_start3A_67 : memref<128xi32, #tpu.memory_space<hbm>>) target(%dma_start3A_66 : memref<128xi32, #tpu.memory_space<vmem>>) target_semaphore(%run_scoped3A_60 : memref<!tpu.dma_semaphore, #tpu.memory_space<semaphore_mem>>)
      %dma_wait3A = arith.constant 0 : i32
      %dma_wait3A_68 = tpu.memref_slice %arg5[%run_scoped3A_38, %dma_wait3A] : memref<8x128xi32, #tpu.memory_space<vmem>> -> memref<1x128xi32, #tpu.memory_space<vmem>>
      %dma_wait3A_69 = tpu.memref_squeeze %dma_wait3A_68 : memref<1x128xi32, #tpu.memory_space<vmem>> -> memref<128xi32, #tpu.memory_space<vmem>>
      %dma_wait3A_70 = tpu.memref_slice %arg2[%add3A_37] : memref<16384xi32, #tpu.memory_space<hbm>> -> memref<128xi32, #tpu.memory_space<hbm>>
      %dma_wait3A_71 = arith.constant 0 : i32
      %dma_wait3A_72 = tpu.memref_slice %arg5[%run_scoped3A_38, %dma_wait3A_71] : memref<8x128xi32, #tpu.memory_space<vmem>> -> memref<1x128xi32, #tpu.memory_space<vmem>>
      %dma_wait3A_73 = tpu.memref_squeeze %dma_wait3A_72 : memref<1x128xi32, #tpu.memory_space<vmem>> -> memref<128xi32, #tpu.memory_space<vmem>>
      %dma_wait3A_74 = tpu.memref_slice %arg2[%add3A_37] : memref<16384xi32, #tpu.memory_space<hbm>> -> memref<128xi32, #tpu.memory_space<hbm>>
      tpu.wait_dma2 semaphore(%run_scoped3A_60 : memref<!tpu.dma_semaphore, #tpu.memory_space<semaphore_mem>>) src(%dma_wait3A_74 : memref<128xi32, #tpu.memory_space<hbm>>) dst(%dma_wait3A_73 : memref<128xi32, #tpu.memory_space<vmem>>)
      tpu.yield
    }) : () -> ()
    %add3A_39 = arith.constant 896 : i32
    %add3A_40 = arith.addi %mul3A_18, %add3A_39 : i32
    %run_scoped3A_41 = arith.constant 7 : i32
    "tpu.region"() ({
      %run_scoped3A_60 = tpu.sem_alloc : memref<!tpu.dma_semaphore, #tpu.memory_space<semaphore_mem>>
      %dma_start3A = arith.constant 0 : i32
      %dma_start3A_61 = tpu.memref_slice %arg5[%run_scoped3A_41, %dma_start3A] : memref<8x128xi32, #tpu.memory_space<vmem>> -> memref<1x128xi32, #tpu.memory_space<vmem>>
      %dma_start3A_62 = tpu.memref_squeeze %dma_start3A_61 : memref<1x128xi32, #tpu.memory_space<vmem>> -> memref<128xi32, #tpu.memory_space<vmem>>
      %dma_start3A_63 = tpu.memref_slice %arg2[%add3A_40] : memref<16384xi32, #tpu.memory_space<hbm>> -> memref<128xi32, #tpu.memory_space<hbm>>
      %dma_start3A_64 = arith.constant 0 : i32
      %dma_start3A_65 = tpu.memref_slice %arg5[%run_scoped3A_41, %dma_start3A_64] : memref<8x128xi32, #tpu.memory_space<vmem>> -> memref<1x128xi32, #tpu.memory_space<vmem>>
      %dma_start3A_66 = tpu.memref_squeeze %dma_start3A_65 : memref<1x128xi32, #tpu.memory_space<vmem>> -> memref<128xi32, #tpu.memory_space<vmem>>
      %dma_start3A_67 = tpu.memref_slice %arg2[%add3A_40] : memref<16384xi32, #tpu.memory_space<hbm>> -> memref<128xi32, #tpu.memory_space<hbm>>
      tpu.enqueue_dma source(%dma_start3A_67 : memref<128xi32, #tpu.memory_space<hbm>>) target(%dma_start3A_66 : memref<128xi32, #tpu.memory_space<vmem>>) target_semaphore(%run_scoped3A_60 : memref<!tpu.dma_semaphore, #tpu.memory_space<semaphore_mem>>)
      %dma_wait3A = arith.constant 0 : i32
      %dma_wait3A_68 = tpu.memref_slice %arg5[%run_scoped3A_41, %dma_wait3A] : memref<8x128xi32, #tpu.memory_space<vmem>> -> memref<1x128xi32, #tpu.memory_space<vmem>>
      %dma_wait3A_69 = tpu.memref_squeeze %dma_wait3A_68 : memref<1x128xi32, #tpu.memory_space<vmem>> -> memref<128xi32, #tpu.memory_space<vmem>>
      %dma_wait3A_70 = tpu.memref_slice %arg2[%add3A_40] : memref<16384xi32, #tpu.memory_space<hbm>> -> memref<128xi32, #tpu.memory_space<hbm>>
      %dma_wait3A_71 = arith.constant 0 : i32
      %dma_wait3A_72 = tpu.memref_slice %arg5[%run_scoped3A_41, %dma_wait3A_71] : memref<8x128xi32, #tpu.memory_space<vmem>> -> memref<1x128xi32, #tpu.memory_space<vmem>>
      %dma_wait3A_73 = tpu.memref_squeeze %dma_wait3A_72 : memref<1x128xi32, #tpu.memory_space<vmem>> -> memref<128xi32, #tpu.memory_space<vmem>>
      %dma_wait3A_74 = tpu.memref_slice %arg2[%add3A_40] : memref<16384xi32, #tpu.memory_space<hbm>> -> memref<128xi32, #tpu.memory_space<hbm>>
      tpu.wait_dma2 semaphore(%run_scoped3A_60 : memref<!tpu.dma_semaphore, #tpu.memory_space<semaphore_mem>>) src(%dma_wait3A_74 : memref<128xi32, #tpu.memory_space<hbm>>) dst(%dma_wait3A_73 : memref<128xi32, #tpu.memory_space<vmem>>)
      tpu.yield
    }) : () -> ()
    %eq3A = arith.constant 0 : i32
    %eq3A_42 = arith.cmpi eq, %arg1, %eq3A : i32
    %convert_element_type3A = arith.extui %eq3A_42 : i1 to i32
    %cond3A = arith.constant 0 : i32
    %cond3A_43 = arith.cmpi ne, %convert_element_type3A, %cond3A : i32
    scf.if %cond3A_43 {
      "tpu.region"() ({
        %run_scoped3A_60 = tpu.sem_alloc : memref<!tpu.dma_semaphore, #tpu.memory_space<semaphore_mem>>
        tpu.enqueue_dma source(%arg7 : memref<1024xf32, #tpu.memory_space<vmem>>) target(%arg8 : memref<1024xf32, #tpu.memory_space<vmem_shared>>) target_semaphore(%run_scoped3A_60 : memref<!tpu.dma_semaphore, #tpu.memory_space<semaphore_mem>>)
        tpu.wait_dma2 semaphore(%run_scoped3A_60 : memref<!tpu.dma_semaphore, #tpu.memory_space<semaphore_mem>>) src(%arg7 : memref<1024xf32, #tpu.memory_space<vmem>>) dst(%arg8 : memref<1024xf32, #tpu.memory_space<vmem_shared>>)
        tpu.yield
      }) : () -> ()
    } else {
    }
    %barrier3A = arith.constant 0 : index
    tpu.barrier barrier_id(%barrier3A)
    %run_scoped3A_44 = arith.constant 0 : i32
    "tpu.region"() ({
      %run_scoped3A_60 = tpu.sem_alloc : memref<!tpu.dma_semaphore, #tpu.memory_space<semaphore_mem>>
      %dma_start3A = arith.constant 0 : i32
      %dma_start3A_61 = tpu.memref_slice %arg5[%run_scoped3A_44, %dma_start3A] : memref<8x128xi32, #tpu.memory_space<vmem>> -> memref<1x128xi32, #tpu.memory_space<vmem>>
      %dma_start3A_62 = tpu.memref_squeeze %dma_start3A_61 : memref<1x128xi32, #tpu.memory_space<vmem>> -> memref<128xi32, #tpu.memory_space<vmem>>
      %dma_start3A_63 = arith.constant 0 : i32
      %dma_start3A_64 = tpu.memref_slice %arg8[%dma_start3A_63] : memref<1024xf32, #tpu.memory_space<vmem_shared>> -> memref<1024xf32, #tpu.memory_space<vmem_shared>>
      tpu.enqueue_indirect_dma source(%arg6 : memref<128xf32, #tpu.memory_space<vmem>>) target(%dma_start3A_64 : memref<1024xf32, #tpu.memory_space<vmem_shared>>) offsets(%dma_start3A_62 : memref<128xi32, #tpu.memory_space<vmem>>) semaphore(%run_scoped3A_60 : memref<!tpu.dma_semaphore, #tpu.memory_space<semaphore_mem>>) {add = true}
      %dma_wait3A = arith.constant 0 : i32
      %dma_wait3A_65 = tpu.memref_slice %arg5[%run_scoped3A_44, %dma_wait3A] : memref<8x128xi32, #tpu.memory_space<vmem>> -> memref<1x128xi32, #tpu.memory_space<vmem>>
      %dma_wait3A_66 = tpu.memref_squeeze %dma_wait3A_65 : memref<1x128xi32, #tpu.memory_space<vmem>> -> memref<128xi32, #tpu.memory_space<vmem>>
      %dma_wait3A_67 = arith.constant 0 : i32
      %dma_wait3A_68 = tpu.memref_slice %arg8[%dma_wait3A_67] : memref<1024xf32, #tpu.memory_space<vmem_shared>> -> memref<1024xf32, #tpu.memory_space<vmem_shared>>
      tpu.wait_indirect_dma semaphore(%run_scoped3A_60 : memref<!tpu.dma_semaphore, #tpu.memory_space<semaphore_mem>>) src(%arg6 : memref<128xf32, #tpu.memory_space<vmem>>) dst(%dma_wait3A_68 : memref<1024xf32, #tpu.memory_space<vmem_shared>>)
      tpu.yield
    }) : () -> ()
    %run_scoped3A_45 = arith.constant 1 : i32
    "tpu.region"() ({
      %run_scoped3A_60 = tpu.sem_alloc : memref<!tpu.dma_semaphore, #tpu.memory_space<semaphore_mem>>
      %dma_start3A = arith.constant 0 : i32
      %dma_start3A_61 = tpu.memref_slice %arg5[%run_scoped3A_45, %dma_start3A] : memref<8x128xi32, #tpu.memory_space<vmem>> -> memref<1x128xi32, #tpu.memory_space<vmem>>
      %dma_start3A_62 = tpu.memref_squeeze %dma_start3A_61 : memref<1x128xi32, #tpu.memory_space<vmem>> -> memref<128xi32, #tpu.memory_space<vmem>>
      %dma_start3A_63 = arith.constant 0 : i32
      %dma_start3A_64 = tpu.memref_slice %arg8[%dma_start3A_63] : memref<1024xf32, #tpu.memory_space<vmem_shared>> -> memref<1024xf32, #tpu.memory_space<vmem_shared>>
      tpu.enqueue_indirect_dma source(%arg6 : memref<128xf32, #tpu.memory_space<vmem>>) target(%dma_start3A_64 : memref<1024xf32, #tpu.memory_space<vmem_shared>>) offsets(%dma_start3A_62 : memref<128xi32, #tpu.memory_space<vmem>>) semaphore(%run_scoped3A_60 : memref<!tpu.dma_semaphore, #tpu.memory_space<semaphore_mem>>) {add = true}
      %dma_wait3A = arith.constant 0 : i32
      %dma_wait3A_65 = tpu.memref_slice %arg5[%run_scoped3A_45, %dma_wait3A] : memref<8x128xi32, #tpu.memory_space<vmem>> -> memref<1x128xi32, #tpu.memory_space<vmem>>
      %dma_wait3A_66 = tpu.memref_squeeze %dma_wait3A_65 : memref<1x128xi32, #tpu.memory_space<vmem>> -> memref<128xi32, #tpu.memory_space<vmem>>
      %dma_wait3A_67 = arith.constant 0 : i32
      %dma_wait3A_68 = tpu.memref_slice %arg8[%dma_wait3A_67] : memref<1024xf32, #tpu.memory_space<vmem_shared>> -> memref<1024xf32, #tpu.memory_space<vmem_shared>>
      tpu.wait_indirect_dma semaphore(%run_scoped3A_60 : memref<!tpu.dma_semaphore, #tpu.memory_space<semaphore_mem>>) src(%arg6 : memref<128xf32, #tpu.memory_space<vmem>>) dst(%dma_wait3A_68 : memref<1024xf32, #tpu.memory_space<vmem_shared>>)
      tpu.yield
    }) : () -> ()
    %run_scoped3A_46 = arith.constant 2 : i32
    "tpu.region"() ({
      %run_scoped3A_60 = tpu.sem_alloc : memref<!tpu.dma_semaphore, #tpu.memory_space<semaphore_mem>>
      %dma_start3A = arith.constant 0 : i32
      %dma_start3A_61 = tpu.memref_slice %arg5[%run_scoped3A_46, %dma_start3A] : memref<8x128xi32, #tpu.memory_space<vmem>> -> memref<1x128xi32, #tpu.memory_space<vmem>>
      %dma_start3A_62 = tpu.memref_squeeze %dma_start3A_61 : memref<1x128xi32, #tpu.memory_space<vmem>> -> memref<128xi32, #tpu.memory_space<vmem>>
      %dma_start3A_63 = arith.constant 0 : i32
      %dma_start3A_64 = tpu.memref_slice %arg8[%dma_start3A_63] : memref<1024xf32, #tpu.memory_space<vmem_shared>> -> memref<1024xf32, #tpu.memory_space<vmem_shared>>
      tpu.enqueue_indirect_dma source(%arg6 : memref<128xf32, #tpu.memory_space<vmem>>) target(%dma_start3A_64 : memref<1024xf32, #tpu.memory_space<vmem_shared>>) offsets(%dma_start3A_62 : memref<128xi32, #tpu.memory_space<vmem>>) semaphore(%run_scoped3A_60 : memref<!tpu.dma_semaphore, #tpu.memory_space<semaphore_mem>>) {add = true}
      %dma_wait3A = arith.constant 0 : i32
      %dma_wait3A_65 = tpu.memref_slice %arg5[%run_scoped3A_46, %dma_wait3A] : memref<8x128xi32, #tpu.memory_space<vmem>> -> memref<1x128xi32, #tpu.memory_space<vmem>>
      %dma_wait3A_66 = tpu.memref_squeeze %dma_wait3A_65 : memref<1x128xi32, #tpu.memory_space<vmem>> -> memref<128xi32, #tpu.memory_space<vmem>>
      %dma_wait3A_67 = arith.constant 0 : i32
      %dma_wait3A_68 = tpu.memref_slice %arg8[%dma_wait3A_67] : memref<1024xf32, #tpu.memory_space<vmem_shared>> -> memref<1024xf32, #tpu.memory_space<vmem_shared>>
      tpu.wait_indirect_dma semaphore(%run_scoped3A_60 : memref<!tpu.dma_semaphore, #tpu.memory_space<semaphore_mem>>) src(%arg6 : memref<128xf32, #tpu.memory_space<vmem>>) dst(%dma_wait3A_68 : memref<1024xf32, #tpu.memory_space<vmem_shared>>)
      tpu.yield
    }) : () -> ()
    %run_scoped3A_47 = arith.constant 3 : i32
    "tpu.region"() ({
      %run_scoped3A_60 = tpu.sem_alloc : memref<!tpu.dma_semaphore, #tpu.memory_space<semaphore_mem>>
      %dma_start3A = arith.constant 0 : i32
      %dma_start3A_61 = tpu.memref_slice %arg5[%run_scoped3A_47, %dma_start3A] : memref<8x128xi32, #tpu.memory_space<vmem>> -> memref<1x128xi32, #tpu.memory_space<vmem>>
      %dma_start3A_62 = tpu.memref_squeeze %dma_start3A_61 : memref<1x128xi32, #tpu.memory_space<vmem>> -> memref<128xi32, #tpu.memory_space<vmem>>
      %dma_start3A_63 = arith.constant 0 : i32
      %dma_start3A_64 = tpu.memref_slice %arg8[%dma_start3A_63] : memref<1024xf32, #tpu.memory_space<vmem_shared>> -> memref<1024xf32, #tpu.memory_space<vmem_shared>>
      tpu.enqueue_indirect_dma source(%arg6 : memref<128xf32, #tpu.memory_space<vmem>>) target(%dma_start3A_64 : memref<1024xf32, #tpu.memory_space<vmem_shared>>) offsets(%dma_start3A_62 : memref<128xi32, #tpu.memory_space<vmem>>) semaphore(%run_scoped3A_60 : memref<!tpu.dma_semaphore, #tpu.memory_space<semaphore_mem>>) {add = true}
      %dma_wait3A = arith.constant 0 : i32
      %dma_wait3A_65 = tpu.memref_slice %arg5[%run_scoped3A_47, %dma_wait3A] : memref<8x128xi32, #tpu.memory_space<vmem>> -> memref<1x128xi32, #tpu.memory_space<vmem>>
      %dma_wait3A_66 = tpu.memref_squeeze %dma_wait3A_65 : memref<1x128xi32, #tpu.memory_space<vmem>> -> memref<128xi32, #tpu.memory_space<vmem>>
      %dma_wait3A_67 = arith.constant 0 : i32
      %dma_wait3A_68 = tpu.memref_slice %arg8[%dma_wait3A_67] : memref<1024xf32, #tpu.memory_space<vmem_shared>> -> memref<1024xf32, #tpu.memory_space<vmem_shared>>
      tpu.wait_indirect_dma semaphore(%run_scoped3A_60 : memref<!tpu.dma_semaphore, #tpu.memory_space<semaphore_mem>>) src(%arg6 : memref<128xf32, #tpu.memory_space<vmem>>) dst(%dma_wait3A_68 : memref<1024xf32, #tpu.memory_space<vmem_shared>>)
      tpu.yield
    }) : () -> ()
    %run_scoped3A_48 = arith.constant 4 : i32
    "tpu.region"() ({
      %run_scoped3A_60 = tpu.sem_alloc : memref<!tpu.dma_semaphore, #tpu.memory_space<semaphore_mem>>
      %dma_start3A = arith.constant 0 : i32
      %dma_start3A_61 = tpu.memref_slice %arg5[%run_scoped3A_48, %dma_start3A] : memref<8x128xi32, #tpu.memory_space<vmem>> -> memref<1x128xi32, #tpu.memory_space<vmem>>
      %dma_start3A_62 = tpu.memref_squeeze %dma_start3A_61 : memref<1x128xi32, #tpu.memory_space<vmem>> -> memref<128xi32, #tpu.memory_space<vmem>>
      %dma_start3A_63 = arith.constant 0 : i32
      %dma_start3A_64 = tpu.memref_slice %arg8[%dma_start3A_63] : memref<1024xf32, #tpu.memory_space<vmem_shared>> -> memref<1024xf32, #tpu.memory_space<vmem_shared>>
      tpu.enqueue_indirect_dma source(%arg6 : memref<128xf32, #tpu.memory_space<vmem>>) target(%dma_start3A_64 : memref<1024xf32, #tpu.memory_space<vmem_shared>>) offsets(%dma_start3A_62 : memref<128xi32, #tpu.memory_space<vmem>>) semaphore(%run_scoped3A_60 : memref<!tpu.dma_semaphore, #tpu.memory_space<semaphore_mem>>) {add = true}
      %dma_wait3A = arith.constant 0 : i32
      %dma_wait3A_65 = tpu.memref_slice %arg5[%run_scoped3A_48, %dma_wait3A] : memref<8x128xi32, #tpu.memory_space<vmem>> -> memref<1x128xi32, #tpu.memory_space<vmem>>
      %dma_wait3A_66 = tpu.memref_squeeze %dma_wait3A_65 : memref<1x128xi32, #tpu.memory_space<vmem>> -> memref<128xi32, #tpu.memory_space<vmem>>
      %dma_wait3A_67 = arith.constant 0 : i32
      %dma_wait3A_68 = tpu.memref_slice %arg8[%dma_wait3A_67] : memref<1024xf32, #tpu.memory_space<vmem_shared>> -> memref<1024xf32, #tpu.memory_space<vmem_shared>>
      tpu.wait_indirect_dma semaphore(%run_scoped3A_60 : memref<!tpu.dma_semaphore, #tpu.memory_space<semaphore_mem>>) src(%arg6 : memref<128xf32, #tpu.memory_space<vmem>>) dst(%dma_wait3A_68 : memref<1024xf32, #tpu.memory_space<vmem_shared>>)
      tpu.yield
    }) : () -> ()
    %run_scoped3A_49 = arith.constant 5 : i32
    "tpu.region"() ({
      %run_scoped3A_60 = tpu.sem_alloc : memref<!tpu.dma_semaphore, #tpu.memory_space<semaphore_mem>>
      %dma_start3A = arith.constant 0 : i32
      %dma_start3A_61 = tpu.memref_slice %arg5[%run_scoped3A_49, %dma_start3A] : memref<8x128xi32, #tpu.memory_space<vmem>> -> memref<1x128xi32, #tpu.memory_space<vmem>>
      %dma_start3A_62 = tpu.memref_squeeze %dma_start3A_61 : memref<1x128xi32, #tpu.memory_space<vmem>> -> memref<128xi32, #tpu.memory_space<vmem>>
      %dma_start3A_63 = arith.constant 0 : i32
      %dma_start3A_64 = tpu.memref_slice %arg8[%dma_start3A_63] : memref<1024xf32, #tpu.memory_space<vmem_shared>> -> memref<1024xf32, #tpu.memory_space<vmem_shared>>
      tpu.enqueue_indirect_dma source(%arg6 : memref<128xf32, #tpu.memory_space<vmem>>) target(%dma_start3A_64 : memref<1024xf32, #tpu.memory_space<vmem_shared>>) offsets(%dma_start3A_62 : memref<128xi32, #tpu.memory_space<vmem>>) semaphore(%run_scoped3A_60 : memref<!tpu.dma_semaphore, #tpu.memory_space<semaphore_mem>>) {add = true}
      %dma_wait3A = arith.constant 0 : i32
      %dma_wait3A_65 = tpu.memref_slice %arg5[%run_scoped3A_49, %dma_wait3A] : memref<8x128xi32, #tpu.memory_space<vmem>> -> memref<1x128xi32, #tpu.memory_space<vmem>>
      %dma_wait3A_66 = tpu.memref_squeeze %dma_wait3A_65 : memref<1x128xi32, #tpu.memory_space<vmem>> -> memref<128xi32, #tpu.memory_space<vmem>>
      %dma_wait3A_67 = arith.constant 0 : i32
      %dma_wait3A_68 = tpu.memref_slice %arg8[%dma_wait3A_67] : memref<1024xf32, #tpu.memory_space<vmem_shared>> -> memref<1024xf32, #tpu.memory_space<vmem_shared>>
      tpu.wait_indirect_dma semaphore(%run_scoped3A_60 : memref<!tpu.dma_semaphore, #tpu.memory_space<semaphore_mem>>) src(%arg6 : memref<128xf32, #tpu.memory_space<vmem>>) dst(%dma_wait3A_68 : memref<1024xf32, #tpu.memory_space<vmem_shared>>)
      tpu.yield
    }) : () -> ()
    %run_scoped3A_50 = arith.constant 6 : i32
    "tpu.region"() ({
      %run_scoped3A_60 = tpu.sem_alloc : memref<!tpu.dma_semaphore, #tpu.memory_space<semaphore_mem>>
      %dma_start3A = arith.constant 0 : i32
      %dma_start3A_61 = tpu.memref_slice %arg5[%run_scoped3A_50, %dma_start3A] : memref<8x128xi32, #tpu.memory_space<vmem>> -> memref<1x128xi32, #tpu.memory_space<vmem>>
      %dma_start3A_62 = tpu.memref_squeeze %dma_start3A_61 : memref<1x128xi32, #tpu.memory_space<vmem>> -> memref<128xi32, #tpu.memory_space<vmem>>
      %dma_start3A_63 = arith.constant 0 : i32
      %dma_start3A_64 = tpu.memref_slice %arg8[%dma_start3A_63] : memref<1024xf32, #tpu.memory_space<vmem_shared>> -> memref<1024xf32, #tpu.memory_space<vmem_shared>>
      tpu.enqueue_indirect_dma source(%arg6 : memref<128xf32, #tpu.memory_space<vmem>>) target(%dma_start3A_64 : memref<1024xf32, #tpu.memory_space<vmem_shared>>) offsets(%dma_start3A_62 : memref<128xi32, #tpu.memory_space<vmem>>) semaphore(%run_scoped3A_60 : memref<!tpu.dma_semaphore, #tpu.memory_space<semaphore_mem>>) {add = true}
      %dma_wait3A = arith.constant 0 : i32
      %dma_wait3A_65 = tpu.memref_slice %arg5[%run_scoped3A_50, %dma_wait3A] : memref<8x128xi32, #tpu.memory_space<vmem>> -> memref<1x128xi32, #tpu.memory_space<vmem>>
      %dma_wait3A_66 = tpu.memref_squeeze %dma_wait3A_65 : memref<1x128xi32, #tpu.memory_space<vmem>> -> memref<128xi32, #tpu.memory_space<vmem>>
      %dma_wait3A_67 = arith.constant 0 : i32
      %dma_wait3A_68 = tpu.memref_slice %arg8[%dma_wait3A_67] : memref<1024xf32, #tpu.memory_space<vmem_shared>> -> memref<1024xf32, #tpu.memory_space<vmem_shared>>
      tpu.wait_indirect_dma semaphore(%run_scoped3A_60 : memref<!tpu.dma_semaphore, #tpu.memory_space<semaphore_mem>>) src(%arg6 : memref<128xf32, #tpu.memory_space<vmem>>) dst(%dma_wait3A_68 : memref<1024xf32, #tpu.memory_space<vmem_shared>>)
      tpu.yield
    }) : () -> ()
    %run_scoped3A_51 = arith.constant 7 : i32
    "tpu.region"() ({
      %run_scoped3A_60 = tpu.sem_alloc : memref<!tpu.dma_semaphore, #tpu.memory_space<semaphore_mem>>
      %dma_start3A = arith.constant 0 : i32
      %dma_start3A_61 = tpu.memref_slice %arg5[%run_scoped3A_51, %dma_start3A] : memref<8x128xi32, #tpu.memory_space<vmem>> -> memref<1x128xi32, #tpu.memory_space<vmem>>
      %dma_start3A_62 = tpu.memref_squeeze %dma_start3A_61 : memref<1x128xi32, #tpu.memory_space<vmem>> -> memref<128xi32, #tpu.memory_space<vmem>>
      %dma_start3A_63 = arith.constant 0 : i32
      %dma_start3A_64 = tpu.memref_slice %arg8[%dma_start3A_63] : memref<1024xf32, #tpu.memory_space<vmem_shared>> -> memref<1024xf32, #tpu.memory_space<vmem_shared>>
      tpu.enqueue_indirect_dma source(%arg6 : memref<128xf32, #tpu.memory_space<vmem>>) target(%dma_start3A_64 : memref<1024xf32, #tpu.memory_space<vmem_shared>>) offsets(%dma_start3A_62 : memref<128xi32, #tpu.memory_space<vmem>>) semaphore(%run_scoped3A_60 : memref<!tpu.dma_semaphore, #tpu.memory_space<semaphore_mem>>) {add = true}
      %dma_wait3A = arith.constant 0 : i32
      %dma_wait3A_65 = tpu.memref_slice %arg5[%run_scoped3A_51, %dma_wait3A] : memref<8x128xi32, #tpu.memory_space<vmem>> -> memref<1x128xi32, #tpu.memory_space<vmem>>
      %dma_wait3A_66 = tpu.memref_squeeze %dma_wait3A_65 : memref<1x128xi32, #tpu.memory_space<vmem>> -> memref<128xi32, #tpu.memory_space<vmem>>
      %dma_wait3A_67 = arith.constant 0 : i32
      %dma_wait3A_68 = tpu.memref_slice %arg8[%dma_wait3A_67] : memref<1024xf32, #tpu.memory_space<vmem_shared>> -> memref<1024xf32, #tpu.memory_space<vmem_shared>>
      tpu.wait_indirect_dma semaphore(%run_scoped3A_60 : memref<!tpu.dma_semaphore, #tpu.memory_space<semaphore_mem>>) src(%arg6 : memref<128xf32, #tpu.memory_space<vmem>>) dst(%dma_wait3A_68 : memref<1024xf32, #tpu.memory_space<vmem_shared>>)
      tpu.yield
    }) : () -> ()
    %barrier3A_52 = arith.constant 0 : index
    tpu.barrier barrier_id(%barrier3A_52)
    "tpu.region"() ({
      %run_scoped3A_60 = tpu.sem_alloc : memref<!tpu.dma_semaphore, #tpu.memory_space<semaphore_mem>>
      tpu.enqueue_dma source(%arg8 : memref<1024xf32, #tpu.memory_space<vmem_shared>>) target(%arg7 : memref<1024xf32, #tpu.memory_space<vmem>>) target_semaphore(%run_scoped3A_60 : memref<!tpu.dma_semaphore, #tpu.memory_space<semaphore_mem>>)
      tpu.wait_dma2 semaphore(%run_scoped3A_60 : memref<!tpu.dma_semaphore, #tpu.memory_space<semaphore_mem>>) src(%arg8 : memref<1024xf32, #tpu.memory_space<vmem_shared>>) dst(%arg7 : memref<1024xf32, #tpu.memory_space<vmem>>)
      tpu.yield
    }) : () -> ()
    "tpu.region"() ({
      %run_scoped3A_60 = tpu.sem_alloc : memref<!tpu.dma_semaphore, #tpu.memory_space<semaphore_mem>>
      %dma_start3A = arith.constant 0 : i32
      %dma_start3A_61 = tpu.memref_slice %arg10[%dma_start3A] : memref<512xf32, #tpu.memory_space<vmem>> -> memref<128xf32, #tpu.memory_space<vmem>>
      %dma_start3A_62 = arith.constant 0 : i32
      %dma_start3A_63 = tpu.memref_slice %arg9[%dma_start3A_62] : memref<512xi32, #tpu.memory_space<vmem>> -> memref<128xi32, #tpu.memory_space<vmem>>
      %dma_start3A_64 = arith.constant 0 : i32
      %dma_start3A_65 = tpu.memref_slice %arg8[%dma_start3A_64] : memref<1024xf32, #tpu.memory_space<vmem_shared>> -> memref<1024xf32, #tpu.memory_space<vmem_shared>>
      tpu.enqueue_indirect_dma source(%dma_start3A_65 : memref<1024xf32, #tpu.memory_space<vmem_shared>>) target(%dma_start3A_61 : memref<128xf32, #tpu.memory_space<vmem>>) offsets(%dma_start3A_63 : memref<128xi32, #tpu.memory_space<vmem>>) semaphore(%run_scoped3A_60 : memref<!tpu.dma_semaphore, #tpu.memory_space<semaphore_mem>>)
      %dma_wait3A = arith.constant 0 : i32
      %dma_wait3A_66 = tpu.memref_slice %arg10[%dma_wait3A] : memref<512xf32, #tpu.memory_space<vmem>> -> memref<128xf32, #tpu.memory_space<vmem>>
      %dma_wait3A_67 = arith.constant 0 : i32
      %dma_wait3A_68 = tpu.memref_slice %arg9[%dma_wait3A_67] : memref<512xi32, #tpu.memory_space<vmem>> -> memref<128xi32, #tpu.memory_space<vmem>>
      %dma_wait3A_69 = arith.constant 0 : i32
      %dma_wait3A_70 = tpu.memref_slice %arg8[%dma_wait3A_69] : memref<1024xf32, #tpu.memory_space<vmem_shared>> -> memref<1024xf32, #tpu.memory_space<vmem_shared>>
      tpu.wait_indirect_dma semaphore(%run_scoped3A_60 : memref<!tpu.dma_semaphore, #tpu.memory_space<semaphore_mem>>) src(%dma_wait3A_70 : memref<1024xf32, #tpu.memory_space<vmem_shared>>) dst(%dma_wait3A_66 : memref<128xf32, #tpu.memory_space<vmem>>)
      tpu.yield
    }) : () -> ()
    "tpu.region"() ({
      %run_scoped3A_60 = tpu.sem_alloc : memref<!tpu.dma_semaphore, #tpu.memory_space<semaphore_mem>>
      %dma_start3A = arith.constant 128 : i32
      %dma_start3A_61 = tpu.memref_slice %arg10[%dma_start3A] : memref<512xf32, #tpu.memory_space<vmem>> -> memref<128xf32, #tpu.memory_space<vmem>>
      %dma_start3A_62 = arith.constant 128 : i32
      %dma_start3A_63 = tpu.memref_slice %arg9[%dma_start3A_62] : memref<512xi32, #tpu.memory_space<vmem>> -> memref<128xi32, #tpu.memory_space<vmem>>
      %dma_start3A_64 = arith.constant 0 : i32
      %dma_start3A_65 = tpu.memref_slice %arg8[%dma_start3A_64] : memref<1024xf32, #tpu.memory_space<vmem_shared>> -> memref<1024xf32, #tpu.memory_space<vmem_shared>>
      tpu.enqueue_indirect_dma source(%dma_start3A_65 : memref<1024xf32, #tpu.memory_space<vmem_shared>>) target(%dma_start3A_61 : memref<128xf32, #tpu.memory_space<vmem>>) offsets(%dma_start3A_63 : memref<128xi32, #tpu.memory_space<vmem>>) semaphore(%run_scoped3A_60 : memref<!tpu.dma_semaphore, #tpu.memory_space<semaphore_mem>>)
      %dma_wait3A = arith.constant 128 : i32
      %dma_wait3A_66 = tpu.memref_slice %arg10[%dma_wait3A] : memref<512xf32, #tpu.memory_space<vmem>> -> memref<128xf32, #tpu.memory_space<vmem>>
      %dma_wait3A_67 = arith.constant 128 : i32
      %dma_wait3A_68 = tpu.memref_slice %arg9[%dma_wait3A_67] : memref<512xi32, #tpu.memory_space<vmem>> -> memref<128xi32, #tpu.memory_space<vmem>>
      %dma_wait3A_69 = arith.constant 0 : i32
      %dma_wait3A_70 = tpu.memref_slice %arg8[%dma_wait3A_69] : memref<1024xf32, #tpu.memory_space<vmem_shared>> -> memref<1024xf32, #tpu.memory_space<vmem_shared>>
      tpu.wait_indirect_dma semaphore(%run_scoped3A_60 : memref<!tpu.dma_semaphore, #tpu.memory_space<semaphore_mem>>) src(%dma_wait3A_70 : memref<1024xf32, #tpu.memory_space<vmem_shared>>) dst(%dma_wait3A_66 : memref<128xf32, #tpu.memory_space<vmem>>)
      tpu.yield
    }) : () -> ()
    "tpu.region"() ({
      %run_scoped3A_60 = tpu.sem_alloc : memref<!tpu.dma_semaphore, #tpu.memory_space<semaphore_mem>>
      %dma_start3A = arith.constant 256 : i32
      %dma_start3A_61 = tpu.memref_slice %arg10[%dma_start3A] : memref<512xf32, #tpu.memory_space<vmem>> -> memref<128xf32, #tpu.memory_space<vmem>>
      %dma_start3A_62 = arith.constant 256 : i32
      %dma_start3A_63 = tpu.memref_slice %arg9[%dma_start3A_62] : memref<512xi32, #tpu.memory_space<vmem>> -> memref<128xi32, #tpu.memory_space<vmem>>
      %dma_start3A_64 = arith.constant 0 : i32
      %dma_start3A_65 = tpu.memref_slice %arg8[%dma_start3A_64] : memref<1024xf32, #tpu.memory_space<vmem_shared>> -> memref<1024xf32, #tpu.memory_space<vmem_shared>>
      tpu.enqueue_indirect_dma source(%dma_start3A_65 : memref<1024xf32, #tpu.memory_space<vmem_shared>>) target(%dma_start3A_61 : memref<128xf32, #tpu.memory_space<vmem>>) offsets(%dma_start3A_63 : memref<128xi32, #tpu.memory_space<vmem>>) semaphore(%run_scoped3A_60 : memref<!tpu.dma_semaphore, #tpu.memory_space<semaphore_mem>>)
      %dma_wait3A = arith.constant 256 : i32
      %dma_wait3A_66 = tpu.memref_slice %arg10[%dma_wait3A] : memref<512xf32, #tpu.memory_space<vmem>> -> memref<128xf32, #tpu.memory_space<vmem>>
      %dma_wait3A_67 = arith.constant 256 : i32
      %dma_wait3A_68 = tpu.memref_slice %arg9[%dma_wait3A_67] : memref<512xi32, #tpu.memory_space<vmem>> -> memref<128xi32, #tpu.memory_space<vmem>>
      %dma_wait3A_69 = arith.constant 0 : i32
      %dma_wait3A_70 = tpu.memref_slice %arg8[%dma_wait3A_69] : memref<1024xf32, #tpu.memory_space<vmem_shared>> -> memref<1024xf32, #tpu.memory_space<vmem_shared>>
      tpu.wait_indirect_dma semaphore(%run_scoped3A_60 : memref<!tpu.dma_semaphore, #tpu.memory_space<semaphore_mem>>) src(%dma_wait3A_70 : memref<1024xf32, #tpu.memory_space<vmem_shared>>) dst(%dma_wait3A_66 : memref<128xf32, #tpu.memory_space<vmem>>)
      tpu.yield
    }) : () -> ()
    "tpu.region"() ({
      %run_scoped3A_60 = tpu.sem_alloc : memref<!tpu.dma_semaphore, #tpu.memory_space<semaphore_mem>>
      %dma_start3A = arith.constant 384 : i32
      %dma_start3A_61 = tpu.memref_slice %arg10[%dma_start3A] : memref<512xf32, #tpu.memory_space<vmem>> -> memref<128xf32, #tpu.memory_space<vmem>>
      %dma_start3A_62 = arith.constant 384 : i32
      %dma_start3A_63 = tpu.memref_slice %arg9[%dma_start3A_62] : memref<512xi32, #tpu.memory_space<vmem>> -> memref<128xi32, #tpu.memory_space<vmem>>
      %dma_start3A_64 = arith.constant 0 : i32
      %dma_start3A_65 = tpu.memref_slice %arg8[%dma_start3A_64] : memref<1024xf32, #tpu.memory_space<vmem_shared>> -> memref<1024xf32, #tpu.memory_space<vmem_shared>>
      tpu.enqueue_indirect_dma source(%dma_start3A_65 : memref<1024xf32, #tpu.memory_space<vmem_shared>>) target(%dma_start3A_61 : memref<128xf32, #tpu.memory_space<vmem>>) offsets(%dma_start3A_63 : memref<128xi32, #tpu.memory_space<vmem>>) semaphore(%run_scoped3A_60 : memref<!tpu.dma_semaphore, #tpu.memory_space<semaphore_mem>>)
      %dma_wait3A = arith.constant 384 : i32
      %dma_wait3A_66 = tpu.memref_slice %arg10[%dma_wait3A] : memref<512xf32, #tpu.memory_space<vmem>> -> memref<128xf32, #tpu.memory_space<vmem>>
      %dma_wait3A_67 = arith.constant 384 : i32
      %dma_wait3A_68 = tpu.memref_slice %arg9[%dma_wait3A_67] : memref<512xi32, #tpu.memory_space<vmem>> -> memref<128xi32, #tpu.memory_space<vmem>>
      %dma_wait3A_69 = arith.constant 0 : i32
      %dma_wait3A_70 = tpu.memref_slice %arg8[%dma_wait3A_69] : memref<1024xf32, #tpu.memory_space<vmem_shared>> -> memref<1024xf32, #tpu.memory_space<vmem_shared>>
      tpu.wait_indirect_dma semaphore(%run_scoped3A_60 : memref<!tpu.dma_semaphore, #tpu.memory_space<semaphore_mem>>) src(%dma_wait3A_70 : memref<1024xf32, #tpu.memory_space<vmem_shared>>) dst(%dma_wait3A_66 : memref<128xf32, #tpu.memory_space<vmem>>)
      tpu.yield
    }) : () -> ()
    "tpu.region"() ({
      %run_scoped3A_60 = tpu.sem_alloc : memref<!tpu.dma_semaphore, #tpu.memory_space<semaphore_mem>>
      %dma_start3A = tpu.memref_slice %arg3[%mul3A_5] : memref<16384xf32, #tpu.memory_space<hbm>> -> memref<512xf32, #tpu.memory_space<hbm>>
      %dma_start3A_61 = tpu.memref_slice %arg3[%mul3A_5] : memref<16384xf32, #tpu.memory_space<hbm>> -> memref<512xf32, #tpu.memory_space<hbm>>
      tpu.enqueue_dma source(%arg10 : memref<512xf32, #tpu.memory_space<vmem>>) target(%dma_start3A_61 : memref<512xf32, #tpu.memory_space<hbm>>) target_semaphore(%run_scoped3A_60 : memref<!tpu.dma_semaphore, #tpu.memory_space<semaphore_mem>>)
      %dma_wait3A = tpu.memref_slice %arg3[%mul3A_5] : memref<16384xf32, #tpu.memory_space<hbm>> -> memref<512xf32, #tpu.memory_space<hbm>>
      %dma_wait3A_62 = tpu.memref_slice %arg3[%mul3A_5] : memref<16384xf32, #tpu.memory_space<hbm>> -> memref<512xf32, #tpu.memory_space<hbm>>
      tpu.wait_dma2 semaphore(%run_scoped3A_60 : memref<!tpu.dma_semaphore, #tpu.memory_space<semaphore_mem>>) src(%arg10 : memref<512xf32, #tpu.memory_space<vmem>>) dst(%dma_wait3A_62 : memref<512xf32, #tpu.memory_space<hbm>>)
      tpu.yield
    }) : () -> ()
    %eq3A_53 = arith.constant 0 : i32
    %eq3A_54 = arith.cmpi eq, %arg0, %eq3A_53 : i32
    %eq3A_55 = arith.constant 0 : i32
    %eq3A_56 = arith.cmpi eq, %arg1, %eq3A_55 : i32
    %and3A = arith.andi %eq3A_54, %eq3A_56 : i1
    %convert_element_type3A_57 = arith.extui %and3A : i1 to i32
    %cond3A_58 = arith.constant 0 : i32
    %cond3A_59 = arith.cmpi ne, %convert_element_type3A_57, %cond3A_58 : i32
    scf.if %cond3A_59 {
      %scan3A_60 = arith.constant 0 : i32
      %scan3A_61 = arith.constant 64 : i32
      %scan3A_62 = arith.addi %scan3A_60, %scan3A_61 : i32
      %scan3A_63 = arith.constant 1 : i32
      %scan3A_64 = scf.for %scan3A_69 = %scan3A_60 to %scan3A_62 step %scan3A_63 iter_args(%scan3A_70 = %broadcast_in_dim3A_3) -> (vector<16xf32>)  : i32 {
        %mul3A_71 = arith.constant 16 : i32
        %mul3A_72 = arith.muli %scan3A_69, %mul3A_71 : i32
        %get3A = arith.index_cast %mul3A_72 : i32 to index
        %get3A_73 = tpu.vector_load %arg7[%get3A] {strides = array<i32>} : memref<1024xf32, #tpu.memory_space<vmem>>, vector<16xf32>,
        %get3A_74 = vector.shape_cast %get3A_73 : vector<16xf32> to vector<16xf32>
        %gt3A = arith.constant 0.000000e+00 : f32
        %gt3A_75 = vector.broadcast %gt3A : f32 to vector<16xf32>
        %gt3A_76 = arith.cmpf ogt, %get3A_74, %gt3A_75 : vector<16xf32>
        %jit3A = arith.constant 1.000000e+00 : f32
        %jit3A_77 = arith.constant 0.000000e+00 : f32
        %broadcast_in_dim3A_78 = vector.broadcast %jit3A : f32 to vector<16xf32>
        %broadcast_in_dim3A_79 = vector.broadcast %jit3A_77 : f32 to vector<16xf32>
        %select_n3A = arith.select %gt3A_76, %broadcast_in_dim3A_78, %broadcast_in_dim3A_79 : vector<16xi1>, vector<16xf32>
        %add3A_80 = arith.addf %scan3A_70, %select_n3A : vector<16xf32>
        scf.yield %add3A_80 : vector<16xf32>
      }
      %scan3A_65 = arith.constant 64 : i32
      %swap3A = arith.constant 0 : index
      %swap3A_66 = tpu.vector_load %arg11[%swap3A] {strides = array<i32>} : memref<16xf32, #tpu.memory_space<vmem>>, vector<16xf32>,
      %swap3A_67 = vector.shape_cast %swap3A_66 : vector<16xf32> to vector<16xf32>
      %swap3A_68 = vector.shape_cast %scan3A_64 : vector<16xf32> to vector<16xf32>
      tpu.vector_store %arg11[%swap3A], %swap3A_68 {strides = array<i32>} : memref<16xf32, #tpu.memory_space<vmem>>, vector<16xf32>,
      "tpu.region"() ({
        %run_scoped3A_69 = tpu.sem_alloc : memref<!tpu.dma_semaphore, #tpu.memory_space<semaphore_mem>>
        tpu.enqueue_dma source(%arg11 : memref<16xf32, #tpu.memory_space<vmem>>) target(%arg4 : memref<16xf32, #tpu.memory_space<hbm>>) target_semaphore(%run_scoped3A_69 : memref<!tpu.dma_semaphore, #tpu.memory_space<semaphore_mem>>)
        tpu.wait_dma2 semaphore(%run_scoped3A_69 : memref<!tpu.dma_semaphore, #tpu.memory_space<semaphore_mem>>) src(%arg11 : memref<16xf32, #tpu.memory_space<vmem>>) dst(%arg4 : memref<16xf32, #tpu.memory_space<hbm>>)
        tpu.yield
      }) : () -> ()
    } else {
    }
    return
  }
}

module attributes {stable_mosaic.version = 14 : i64} {
  func.func @_tc_body(%arg0: i32, %arg1: memref<2048xi32, #tpu.memory_space<vmem>>, %arg2: memref<1000x2048xf32, #tpu.memory_space<vmem>>, %arg3: memref<1x2048xf32, #tpu.memory_space<vmem>>) attributes {dimension_semantics = [#tpu.dimension_semantics<arbitrary>], iteration_bounds = array<i64: 8>, scalar_prefetch = 0 : i64, scratch_operands = 0 : i64, tpu.core_type = #tpu.core_type<tc>, window_params = [{transform_indices = @transform_0, window_bounds = array<i64: 2048>}, {transform_indices = @transform_1, window_bounds = array<i64: 1000, 2048>}, {transform_indices = @transform_2, window_bounds = array<i64: 1, 2048>}]} {
    %get3A = arith.constant 0 : index
    %get3A_0 = arith.constant 0 : index
    %get3A_1 = vector.load %arg2[%get3A, %get3A_0] : memref<1000x2048xf32, #tpu.memory_space<vmem>>, vector<1000x2048xf32>
    %reduce_max3A = arith.constant dense<0xFF800000> : vector<2048xf32>
    %reduce_max3A_2 = vector.multi_reduction <maximumf>, %get3A_1, %reduce_max3A [0] : vector<1000x2048xf32> to vector<2048xf32>
    %broadcast_in_dim3A = vector.shape_cast %reduce_max3A_2 : vector<2048xf32> to vector<1x2048xf32>
    %sub3A = vector.broadcast %broadcast_in_dim3A : vector<1x2048xf32> to vector<1000x2048xf32>
    %sub3A_3 = arith.subf %get3A_1, %sub3A : vector<1000x2048xf32>
    %exp3A = math.exp %sub3A_3 : vector<1000x2048xf32>
    %reduce_sum3A = arith.constant dense<0.000000e+00> : vector<2048xf32>
    %reduce_sum3A_4 = vector.multi_reduction <add>, %exp3A, %reduce_sum3A [0] : vector<1000x2048xf32> to vector<2048xf32>
    %broadcast_in_dim3A_5 = vector.shape_cast %reduce_sum3A_4 : vector<2048xf32> to vector<1x2048xf32>
    %log3A = math.log %broadcast_in_dim3A_5 : vector<1x2048xf32>
    %add3A = arith.addf %broadcast_in_dim3A, %log3A : vector<1x2048xf32>
    %get3A_6 = arith.constant 0 : index
    %get3A_7 = vector.load %arg1[%get3A_6] : memref<2048xi32, #tpu.memory_space<vmem>>, vector<2048xi32>
    %reshape3A = vector.shape_cast %get3A_7 : vector<2048xi32> to vector<1x2048xi32>
    %iota3A = tpu.iota {dimensions = array<i32: 0>} : vector<1000x2048xi32>
    %eq3A = vector.broadcast %reshape3A : vector<1x2048xi32> to vector<1000x2048xi32>
    %eq3A_8 = arith.cmpi eq, %iota3A, %eq3A : vector<1000x2048xi32>
    %jit3A = arith.constant 0.000000e+00 : f32
    %broadcast_in_dim3A_9 = vector.broadcast %jit3A : f32 to vector<1000x2048xf32>
    %select_n3A = arith.select %eq3A_8, %get3A_1, %broadcast_in_dim3A_9 : vector<1000x2048xi1>, vector<1000x2048xf32>
    %reduce_sum3A_10 = arith.constant dense<0.000000e+00> : vector<2048xf32>
    %reduce_sum3A_11 = vector.multi_reduction <add>, %select_n3A, %reduce_sum3A_10 [0] : vector<1000x2048xf32> to vector<2048xf32>
    %broadcast_in_dim3A_12 = vector.shape_cast %reduce_sum3A_11 : vector<2048xf32> to vector<1x2048xf32>
    %sub3A_13 = arith.subf %add3A, %broadcast_in_dim3A_12 : vector<1x2048xf32>
    %swap3A = arith.constant 0 : index
    %swap3A_14 = arith.constant 0 : index
    %swap3A_15 = vector.load %arg3[%swap3A, %swap3A_14] : memref<1x2048xf32, #tpu.memory_space<vmem>>, vector<1x2048xf32>
    tpu.vector_store %arg3[%swap3A, %swap3A_14], %sub3A_13 {strides = array<i32>} : memref<1x2048xf32, #tpu.memory_space<vmem>>, vector<1x2048xf32>,
    return
  }
  func.func @transform_0(%arg0: i32) -> i32 {
    %c0_i32 = arith.constant 0 : i32
    return %arg0 : i32
  }
  func.func @transform_1(%arg0: i32) -> (i32, i32) {
    %c0_i32 = arith.constant 0 : i32
    %c0_i32_0 = arith.constant 0 : i32
    return %c0_i32, %arg0 : i32, i32
  }
  func.func @transform_2(%arg0: i32) -> (i32, i32) {
    %c0_i32 = arith.constant 0 : i32
    %c0_i32_0 = arith.constant 0 : i32
    return %c0_i32, %arg0 : i32, i32
  }
}

module attributes {stable_mosaic.version = 14 : i64} {
  func.func @_fin_body(%arg0: memref<1x16384xf32, #tpu.memory_space<vmem>>, %arg1: memref<1x16384xf32, #tpu.memory_space<vmem>>, %arg2: memref<1x16xf32, #tpu.memory_space<vmem>>, %arg3: memref<1x1xf32, #tpu.memory_space<vmem>>) attributes {dimension_semantics = [], scalar_prefetch = 0 : i64, scratch_operands = 0 : i64, tpu.core_type = #tpu.core_type<tc>} {
    %get3A = arith.constant 0 : index
    %get3A_0 = arith.constant 0 : index
    %get3A_1 = vector.load %arg0[%get3A, %get3A_0] : memref<1x16384xf32, #tpu.memory_space<vmem>>, vector<1x16384xf32>
    %get3A_2 = arith.constant 0 : index
    %get3A_3 = arith.constant 0 : index
    %get3A_4 = vector.load %arg1[%get3A_2, %get3A_3] : memref<1x16384xf32, #tpu.memory_space<vmem>>, vector<1x16384xf32>
    %div3A = arith.divf %get3A_1, %get3A_4 : vector<1x16384xf32>
    %reduce_sum3A = vector.shape_cast %div3A : vector<1x16384xf32> to vector<1x1x16384xf32>
    %reduce_sum3A_5 = arith.constant dense<0.000000e+00> : vector<1xf32>
    %reduce_sum3A_6 = vector.multi_reduction <add>, %reduce_sum3A, %reduce_sum3A_5 [1, 2] : vector<1x1x16384xf32> to vector<1xf32>
    %reduce_sum3A_7 = vector.shape_cast %reduce_sum3A_6 : vector<1xf32> to vector<1x1x1xf32>
    %reduce_sum3A_8 = vector.extract %reduce_sum3A_7[0, 0, 0] : f32 from vector<1x1x1xf32>
    %broadcast_in_dim3A = vector.broadcast %reduce_sum3A_8 : f32 to vector<1x1xf32>
    %get3A_9 = arith.constant 0 : index
    %get3A_10 = arith.constant 0 : index
    %get3A_11 = vector.load %arg2[%get3A_9, %get3A_10] : memref<1x16xf32, #tpu.memory_space<vmem>>, vector<1x16xf32>
    %reduce_sum3A_12 = vector.shape_cast %get3A_11 : vector<1x16xf32> to vector<1x1x16xf32>
    %reduce_sum3A_13 = arith.constant dense<0.000000e+00> : vector<1xf32>
    %reduce_sum3A_14 = vector.multi_reduction <add>, %reduce_sum3A_12, %reduce_sum3A_13 [1, 2] : vector<1x1x16xf32> to vector<1xf32>
    %reduce_sum3A_15 = vector.shape_cast %reduce_sum3A_14 : vector<1xf32> to vector<1x1x1xf32>
    %reduce_sum3A_16 = vector.extract %reduce_sum3A_15[0, 0, 0] : f32 from vector<1x1x1xf32>
    %broadcast_in_dim3A_17 = vector.broadcast %reduce_sum3A_16 : f32 to vector<1x1xf32>
    %div3A_18 = arith.divf %broadcast_in_dim3A, %broadcast_in_dim3A_17 : vector<1x1xf32>
    %swap3A = arith.constant 0 : index
    %swap3A_19 = arith.constant 0 : index
    %swap3A_20 = vector.load %arg3[%swap3A, %swap3A_19] : memref<1x1xf32, #tpu.memory_space<vmem>>, vector<1x1xf32>
    tpu.vector_store %arg3[%swap3A, %swap3A_19], %div3A_18 {strides = array<i32>} : memref<1x1xf32, #tpu.memory_space<vmem>>, vector<1x1xf32>,
    return
  }
}

</mosaic_0001>

<sc_bundles>
// kernel: kernel.5.cloned.1.call-start
scs
__scs_entry_jumppad:
0x0: {  	(pc) =	sbr.rel $0x88, $3  }
0x1: {  	(tag) =	ssettag $0x0;
	lr =	simm.s32 $0x1  }
0x2: {  	[smem:$0x3F9F] =	sst lr;
	_ =	strace $0xD0000000  }
0x3: {  	_ = 	snop  }
0x4: {  	_ = 	snop  }
0x5: {  	_ = 	snop  }
0x6: {  	_ = 	snop  }
0x7: {  	_ = 	snop  }
__scs_overlays_trampoline_lowered:
0x8: {  	[smem:$0x3FAE] =	sst s0  }
0x9: {  	[smem:$0x3FAF] =	sst s1  }
0xa: {  	[smem:$0x3FB0] =	sst s2  }
0xb: {  	[smem:$0x3FB1] =	sst s3  }
0xc: {  	[smem:$0x3FB2] =	sst s4  }
0xd: {  	[smem:$0x3FB3] =	sst s5  }
0xe: {  	[smem:$0x3FB4] =	sst s6  }
0xf: {  	[smem:$0x3FB5] =	sst s7  }
0x10: {  	[smem:$0x3FB6] =	sst s8  }
0x11: {  	[smem:$0x3FB7] =	sst s9;
	s0 =	simm.s32 @!p0 $0x0  }
0x12: {  	s1 =	sld [smem:$0x3F9D];
	s0 =	simm.s32 @p0 $0x1  }
0x13: {  	[smem:$0x3FB8] =	sst s0;
	s0 =	simm.s32 @!p1 $0x0  }
0x14: {  	s2 =	sld [smem:$0x3F9C];
	s0 =	simm.s32 @p1 $0x1  }
0x15: {  	[smem:$0x3FB9] =	sst s0;
	s0 =	simm.s32 @!p2 $0x0  }
0x16: {  	s3 =	sld [smem:$0x3FDB];
	s0 =	simm.s32 @p2 $0x1  }
0x17: {  	s4 =	simm.s32 $0x1BF5;
	[smem:$0x3FBB] =	sst s0  }
0x18: {  	s0 =	sld [smem:$0x3F9E];
	_ =	swait.ge [sflag:s4], $0x0  }
0x19: {  	s7 =	sld [smem:$0x3F9F]  }
0x1a: {  	s8 =	sadd.s32 $0xFFFFE003, lr  }
0x1b: {  	s9 =	sadd.s32 $0xFFFFFEF7, lr;
	s5 =	simm.s32 $0xFFFFFFFF;
	p2 =	slt.u32 s8, $0xFFFFF086  }
0x1c: {  	p1 =	slt.u32 s9, $0xF7A;
	s5 =	simm.s32 @!p2 $0x0  }
0x1d: {  	s5 =	simm.s32 @p1 $0x1;
	p0 =	seq.s32 s7, s2  }
0x1e: {  	s7 =	smul.u32 @!p0 $0xF7A, s2;
	p2 =	seq.s32 @!p0 s5, $0x0  }
0x1f: {  	s9 =	smul.u32 $0xF7A, s1;
	s8 =	simm.s32 @!p0 $0x1BF5;
	p2 =	por !p2, p0  }
0x20: {  	[sflag:s8] =	ssyncset.s32 @!p0 $0xFFFFF086;
	s6 =	sadd.s32 @!p0 s3, s7;
	s7 =	simm.s32 @!p0 $0x108  }
0x21: {  	s3 =	sadd.s32 s3, s9;
	s6 =	sadd.s32 @!p0 $0x88, s6;
	s7 =	simm.s32 @p2 $0x1082  }
0x22: {  	[simem:s7], [sflag:s8] =	dma.local @!p0 [hbm:s6], $0xF7A  }
0x23: {  	s9 =	sor.u32 $0xD0000000, s2;
	s6 =	simm.s32 $0x108;
	_ =	swait.ge @!p0 [sflag:s8], $0x0  }
0x24: {  	s3 =	sadd.s32 $0x88, s3;
	s6 =	simm.s32 @!p1 $0x1082;
	[sflag:s4] =	ssyncset.s32 $0xFFFFF086  }
0x25: {  	[simem:s6], [sflag:s4] =	dma.local [hbm:s3], $0xF7A  }
0x26: {  	[smem:$0x3F9F] =	sst s1;
	(tag) =	ssettag s2;
	_ =	strace s9  }
0x27: {  	s1 =	sld [smem:$0x3FAF]  }
0x28: {  	s2 =	sld [smem:$0x3FB0]  }
0x29: {  	s4 =	sld [smem:$0x3FB2]  }
0x2a: {  	p0 =	seq.s32 s5, $0x0;
	s5 =	sld [smem:$0x3FB3]  }
0x2b: {  	s6 =	sld [smem:$0x3FB4]  }
0x2c: {  	s7 =	sld [smem:$0x3FB5]  }
0x2d: {  	s3 =	simm.s32 $0x108;
	s8 =	sld [smem:$0x3FB6]  }
0x2e: {  	s3 =	simm.s32 @!p0 $0x1082;
	s9 =	sld [smem:$0x3FB7]  }
0x2f: {  	lr =	sadd.s32 s0, s3;
	s0 =	sld [smem:$0x3FAE]  }
0x30: {  	s3 =	sld [smem:$0x3FB1]  }
0x31: {  	[smem:$0x3FBA] =	sst s10  }
0x32: {  	s10 =	sld [smem:$0x3FB8];
	_ =	sdelay $0x3  }
0x33: {  	p0 =	seq.s32 s10, $0x1;
	s10 =	sld [smem:$0x3FBA];
	_ =	sdelay $0x3  }
0x34: {  	[smem:$0x3FBA] =	sst s10  }
0x35: {  	s10 =	sld [smem:$0x3FB9];
	_ =	sdelay $0x3  }
0x36: {  	p1 =	seq.s32 s10, $0x1;
	s10 =	sld [smem:$0x3FBA];
	_ =	sdelay $0x3  }
0x37: {  	[smem:$0x3FBA] =	sst s10  }
0x38: {  	s10 =	sld [smem:$0x3FBB]  }
0x39: {  	_ = 	snop;
	(pc) =	sbr.ind lr, $3  }
0x3a: {  	_ = 	snop  }
0x3b: {  	_ = 	snop  }
0x3c: {  	p2 =	seq.s32 s10, $0x1;
	s10 =	sld [smem:$0x3FBA]  }
0x3d: {  	_ =	shalt  }
0x3e: {  	_ =	shalt  }
0x3f: {  	_ =	shalt  }
0x40: {  	_ =	shalt  }
0x41: {  	_ =	shalt  }
0x42: {  	_ =	shalt  }
0x43: {  	_ =	shalt  }
0x44: {  	_ =	shalt  }
0x45: {  	_ =	shalt  }
0x46: {  	_ =	shalt  }
0x47: {  	_ =	shalt  }
0x48: {  	_ =	shalt  }
0x49: {  	_ =	shalt  }
0x4a: {  	_ =	shalt  }
0x4b: {  	_ =	shalt  }
0x4c: {  	_ =	shalt  }
0x4d: {  	_ =	shalt  }
0x4e: {  	_ =	shalt  }
0x4f: {  	_ =	shalt  }
0x50: {  	_ =	shalt  }
0x51: {  	_ =	shalt  }
0x52: {  	_ =	shalt  }
0x53: {  	_ =	shalt  }
0x54: {  	_ =	shalt  }
0x55: {  	_ =	shalt  }
0x56: {  	_ =	shalt  }
0x57: {  	_ =	shalt  }
0x58: {  	_ =	shalt  }
0x59: {  	_ =	shalt  }
0x5a: {  	_ =	shalt  }
0x5b: {  	_ =	shalt  }
0x5c: {  	_ =	shalt  }
0x5d: {  	_ =	shalt  }
0x5e: {  	_ =	shalt  }
0x5f: {  	_ =	shalt  }
0x60: {  	_ =	shalt  }
0x61: {  	_ =	shalt  }
0x62: {  	_ =	shalt  }
0x63: {  	_ =	shalt  }
0x64: {  	_ =	shalt  }
0x65: {  	_ =	shalt  }
0x66: {  	_ =	shalt  }
0x67: {  	_ =	shalt  }
0x68: {  	_ =	shalt  }
0x69: {  	_ =	shalt  }
0x6a: {  	_ =	shalt  }
0x6b: {  	_ =	shalt  }
0x6c: {  	_ =	shalt  }
0x6d: {  	_ =	shalt  }
0x6e: {  	_ =	shalt  }
0x6f: {  	_ =	shalt  }
0x70: {  	_ =	shalt  }
0x71: {  	_ =	shalt  }
0x72: {  	_ =	shalt  }
0x73: {  	_ =	shalt  }
0x74: {  	_ =	shalt  }
0x75: {  	_ =	shalt  }
0x76: {  	_ =	shalt  }
0x77: {  	_ =	shalt  }
0x78: {  	_ =	shalt  }
0x79: {  	_ =	shalt  }
0x7a: {  	_ =	shalt  }
0x7b: {  	_ =	shalt  }
0x7c: {  	_ =	shalt  }
0x7d: {  	_ =	shalt  }
0x7e: {  	_ =	shalt  }
0x7f: {  	_ =	shalt  }
0x80: {  	_ =	shalt  }
0x81: {  	_ =	shalt  }
0x82: {  	_ =	shalt  }
0x83: {  	_ =	shalt  }
0x84: {  	_ =	shalt  }
0x85: {  	_ =	shalt  }
0x86: {  	_ =	shalt  }
0x87: {  	_ =	shalt  }
.Lfunc_end0:
.L_simem_size_0:
called_computation_lowered:
.L_overlay_start_0:
0x88: {  	s2 =	sld [smem:$0x3FD9]  }
0x89: {  	s3 =	sld [smem:$0x3FFE];
	_ =	sdelay $0x1  }
0x8a: {  	s1 =	srdreg.scid  }
0x8b: {  	s0 =	sand.u32 $0x1, s1  }
0x8c: {  	s17 =	sshll.u32 s0, $0xA;
	s2 =	sadd.s32 s3, s2  }
0x8d: {  	s2 =	sadd.s32 s2, s17  }
0x8e: {  	[smem:$0x3FC6] =	sst s2  }
0x8f: {  	_ = 	snop  }
0x90: {  	s2 =	sld [smem:$0x3FC8]  }
0x91: {  	s18 =	sld [smem:$0x3FD0];
	(tm) =	ssettm $0x1  }
0x92: {  	s4 =	sld [smem:$0x3FFB];
	_ =	sdelay $0x3  }
0x93: {  	_ =	strace s4  }
0x94: {  	s4 =	sld [smem:$0x3FFC];
	_ =	sdelay $0x3  }
0x95: {  	_ =	strace s4  }
0x96: {  	s4 =	sld [smem:$0x3FFD];
	_ =	sdelay $0x3  }
0x97: {  	_ =	strace s4  }
0x98: {  	_ =	strace $0x8FFFFFFF  }
0x99: {  	s19 =	sld [smem:$0x3FDB];
	_ =	sdelay $0x1  }
0x9a: {  	s5 =	simm.s32 $_scs_section_size  }
0x9b: {  	s6 =	simm.s32 $_size__tile_overlayer_lowered;
	s7 =	simm.s32 $_tile_overlayer_lowered  }
0x9c: {  	s22 =	simm.s32 $0x1BFF;
	s21 =	sshll.u32 s7, $0x1;
	s4 =	sadd.s32 s5, s19  }
0x9d: {  	s8 =	simm.s32 $0x0;
	s20 =	sshll.u32 s6, $0x1;
	s6 =	sadd.s32 s21, s4  }
0x9e: {  	[timem:s8], [sflag:s22] =	dma.local [hbm:s6], s20  }
0x9f: {  	_ =	swait.ge [sflag:s22], s20  }
0xa0: {  	s5 =	ssub.s32 $0x0, s20;
	[sflag:s22] =	ssyncset.done $0x0  }
0xa1: {  	[sflag:s22] =	ssyncadd.s32 s5;
	_ =	sdelay $0x1  }
0xa2: {  	s23 =	simm.s32 $0x1B8B  }
0xa3: {  	_ =	swait.ge [sflag:s23], $0x1  }
0xa4: {  	[sflag:s23] =	ssyncset.done $0x0  }
0xa5: {  	s25 =	simm.s32 $0x1B8E;
	s24 =	sld [smem:$0x3FFE];
	[sflag:s23] =	ssyncadd.s32 $0xFFFFFFFF  }
0xa6: {  	s26 =	simm.s32 $execute0_lowered;
	[smem:$0x3FD2] =	sst s25  }
0xa7: {  	s6 =	sshll.u32 s26, $0x1;
	_ =	strace $0x80000046;
	[dreg:$0x1] =	wrdreg $0xFFFFFFFF  }
0xa8: {  	s28 =	simm.s32 $_size_execute0_lowered;
	s4 =	sadd.s32 s4, s6;
	[dreg:$0x0] =	wrdreg $0x0  }
0xa9: {  	s6 =	sshll.u32 s28, $0x1;
	[dreg:$0x2] =	wrdreg s4  }
0xaa: {  	[dreg:$0x3] =	wrdreg s6  }
0xab: {  	[dreg:$0x4] =	wrdreg $0xC0  }
0xac: {  	_ =	task [dreg:s8], $0x5FFFF  }
0xad: {  	[dreg:$0x1] =	wrdreg $0xFFFFFFFF  }
0xae: {  	[dreg:$0x0] =	wrdreg $0x60  }
0xaf: {  	[dreg:$0x2] =	wrdreg s2  }
0xb0: {  	[dreg:$0x3] =	wrdreg s24  }
0xb1: {  	[dreg:$0x4] =	wrdreg s18  }
0xb2: {  	[dreg:$0x5] =	wrdreg $0x8800  }
0xb3: {  	[dreg:$0x6] =	wrdreg $0x9  }
0xb4: {  	_ =	task.clear_ibuf [dreg:s8], $0x7FFFF;
	_ =	strace $0x90000046  }
0xb5: {  	s29 =	simm.s32 $0x9;
	_ =	strace $0x80000048  }
0xb6: {  	_ =	swait.ge [sflag:s29], $0x1  }
0xb7: {  	[sflag:s29] =	ssyncadd.s32 $0xFFFFFFFF  }
0xb8: {  	_ =	strace $0x90000048  }
0xb9: {  	_ =	sfence  }
0xba: {  	s30 =	sld [smem:$0x0];
	_ =	sdelay $0x2  }
0xbb: {  	s31 =	sshll.u32 s1, $0xD;
	s1 =	sshrl.u32 s1, $0x2  }
0xbc: {  	s3 =	sand.u32 $0x4000, s31;
	s1 =	sadd.s32 s1, s30  }
0xbd: {  	s0 =	sor.u32 s3, s0;
	s1 =	sshll.u32 s1, $0x11  }
0xbe: {  	s0 =	sor.u32 s1, s0  }
0xbf: {  	s0 =	sadd.s32 $0x8F2B, s0  }
0xc0: {  	[sflag:s0] =	ssyncadd.remote.s32 $0x1  }
0xc1: {  	_ =	sfence.sel $0xFFFF  }
0xc2: {  	[dreg:$0x0] =	wrdreg $0xFFFFFFFF;
	(pc) =	sbr.abs _section_cstart, $3  }
0xc3: {  	[dreg:$0x1] =	wrdreg $0xFFFFFFFF  }
0xc4: {  	_ =	task.clear_ibuf [dreg:s8], $0x2FFFF;
	_ =	strace $0x9FFFFFFF  }
0xc5: {  	(tm) =	ssettm $0x7FFFFFFF  }
tec
execute0_lowered:
.L_overlay_start_1:
0x0: {  	(tag) =	ssettag $0x1  }
0x1: {  	s0 =	rddreg [dreg:$0x0]  }
0x2: {  	s1 =	rddreg [dreg:$0x1]  }
0x3: {  	s2 =	rddreg [dreg:$0x3];
	s3 =	simm.s32 $0x0;
	s4 =	srdreg.scid  }
0x4: {  	s17 =	stileid.u32;
	s16 =	simm.s32 $0x1;
	s18 =	simm.s32 $0x100  }
0x5: {  	s19 =	simm.s32 $0x180;
	s20 =	simm.s32 $0x200;
	s21 =	simm.s32 $0x280  }
0x6: {  	s22 =	simm.s32 $0x300;
	s23 =	simm.s32 $0x380;
	s24 =	simm.s32 $0x400  }
0x7: {  	s26 =	simm.s32 $0xAC0;
	s31 =	simm.s32 $0xBC0;
	s25 =	simm.s32 $0x0  }
0x8: {  	s30 =	simm.s32 $0xB40;
	[smem:$0x7FF] =	sst s3;
	s14 =	sand.u32 $0x1, s4  }
0x9: {  	s28 =	sshll.u32 s17, $0x7;
	p0 =	sne.s32 s17, $0x0;
	s5 =	sshll.u32 s14, $0x6  }
0xa: {  	s6 =	ssub.s32 $0x2, s14;
	_ =	strace $0x80000047;
	s4 =	sadd.s32 s0, s28  }
0xb: {  	s29 =	sor.u32 s17, s14;
	s17 =	simm.s32 $0x80;
	s5 =	sor.u32 s5, s28  }
0xc: {  	s7 =	sshrl.u32 s6, $0x1;
	s8 =	sadd.s32 $0x30, s4;
	s9 =	sadd.s32 $0x40, s4  }
.Ltmp0:
0xd: {  	s10 =	sadd.s32 $0x50, s4;
	s11 =	sadd.s32 $0x60, s4;
	(pc) =	sbr.rel .LBB2_1-.Ltmp0, $4  }
0xe: {  	s12 =	sadd.s32 $0x70, s4;
	p1 =	sne.s32 s29, $0x0;
	s1 =	sadd.s32 s5, s1  }
0xf: {  	s15 =	ssub.s32 s6, s7;
	s5 =	sadd.s32 s0, s5;
	s6 =	sadd.s32 $0x10, s4  }
0x10: {  	s7 =	sadd.s32 $0x20, s4;
	s0 =	simm.s32 $0xA40;
	s13 =	sadd.s32 $0xE00, s1  }
0x11: {  	v0 =	vimm.f32 $0.0e+00;
	v1 =	vimm.f32 $1.000000000e+00;
	s14 =	smax.u32 s15, $0x1;
	s15 =	simm.s32 $0x8C0;
	s1 =	simm.s32 $0xC40  }
.LBB2_6:
0x12: {  	vm0 =	vgt.f32 v3, $0.0e+00  }
0x13: {  	v3 =	vsel vm0, $0x3F800000, v0  }
0x14: {  	v2 =	vadd.f32 v3, v2;
	_ =	sdelay $0x1  }
0x15: {  	s28 =	rddreg [dreg:$0x2];
	s29 =	simm.s32 $0xCC0;
	[tilespmem:$0xCC0] =	vst v2  }
0x16: {  	[hbm4b:s28+s3] =	stream.linear.scatter [tilespmem:s29], [sflag:$0x1], $0x80, $0x38;
	[tilespmem:$0xD40] =	vst v63  }
0x17: {  	_ =	swait.ge [sflag:s16], $0x80  }
0x18: {  	[sflag:s16] =	ssyncset.done $0x0  }
0x19: {  	[sflag:s16] =	ssyncadd.s32 $0xFFFFFF80  }
.LBB2_7:
0x1a: {  	s25 =	sadd.s32 $0x1, s25  }
0x1b: {  	p2 =	sne.s32 s25, s14  }
.Ltmp1:
0x1c: {  	_ = 	snop;
	(pc) =	sbr.rel @!p2 .LBB2_8-.Ltmp1, $1  }
0x1d: {  	_ =	sdelay $0x3  }
.LBB2_1:
0x1e: {  	[tilespmem:s15], [sflag:$0x1] =	stream.linear.gather [hbm4b:s5+s3], $0x200, $0x38;
	[tilespmem:$0xD40] =	vst v63  }
0x1f: {  	_ =	swait.ge [sflag:s16], $0x200  }
0x20: {  	[sflag:s16] =	ssyncset.done $0x0  }
0x21: {  	s28 =	simm.s32 $0x40;
	s29 =	simm.s32 $0x0;
	[sflag:s16] =	ssyncadd.s32 $0xFFFFFE00  }
.LBB2_2:
0x22: {  	p2 =	sne.s32 s28, $0xFC0;
	[tilespmem:s29+$0x480] =	vst v0;
	s29 =	smov.u32 s28;
	s28 =	sadd.s32 $0x40, s28  }
.Ltmp2:
0x23: {  	(pc) =	sbr.rel @p2 .LBB2_2-.Ltmp2, $2  }
0x24: {  	_ =	sdelay $0x2  }
0x25: {  	s29 =	sshra.s32 s29, $0x2  }
0x26: {  	[tilespmem:s29+$0x480] =	vst v0  }
0x27: {  	[tilespmem:$0x400] =	vst v1  }
0x28: {  	[tilespmem:$0x410] =	vst v1  }
0x29: {  	[tilespmem:$0x420] =	vst v1  }
0x2a: {  	[tilespmem:$0x430] =	vst v1  }
0x2b: {  	[tilespmem:$0x440] =	vst v1  }
0x2c: {  	[tilespmem:$0x450] =	vst v1  }
0x2d: {  	[tilespmem:$0x460] =	vst v1  }
0x2e: {  	[tilespmem:$0x470] =	vst v1  }
0x2f: {  	[tilespmem:s3], [sflag:$0x1] =	stream.linear.gather [hbm4b:s4+s3], $0x80, $0x38;
	[tilespmem:$0xD40] =	vst v63  }
0x30: {  	_ =	swait.ge [sflag:s16], $0x80  }
0x31: {  	[sflag:s16] =	ssyncset.done $0x0  }
0x32: {  	[sflag:s16] =	ssyncadd.s32 $0xFFFFFF80  }
0x33: {  	[tilespmem:s17], [sflag:$0x1] =	stream.linear.gather [hbm4b:s6+s3], $0x80, $0x38;
	[tilespmem:$0xD40] =	vst v63  }
0x34: {  	_ =	swait.ge [sflag:s16], $0x80  }
0x35: {  	[sflag:s16] =	ssyncset.done $0x0  }
0x36: {  	[sflag:s16] =	ssyncadd.s32 $0xFFFFFF80  }
0x37: {  	[tilespmem:s18], [sflag:$0x1] =	stream.linear.gather [hbm4b:s7+s3], $0x80, $0x38;
	[tilespmem:$0xD40] =	vst v63  }
0x38: {  	_ =	swait.ge [sflag:s16], $0x80  }
0x39: {  	[sflag:s16] =	ssyncset.done $0x0  }
0x3a: {  	[sflag:s16] =	ssyncadd.s32 $0xFFFFFF80  }
0x3b: {  	[tilespmem:s19], [sflag:$0x1] =	stream.linear.gather [hbm4b:s8+s3], $0x80, $0x38;
	[tilespmem:$0xD40] =	vst v63  }
0x3c: {  	_ =	swait.ge [sflag:s16], $0x80  }
0x3d: {  	[sflag:s16] =	ssyncset.done $0x0  }
0x3e: {  	[sflag:s16] =	ssyncadd.s32 $0xFFFFFF80  }
0x3f: {  	[tilespmem:s20], [sflag:$0x1] =	stream.linear.gather [hbm4b:s9+s3], $0x80, $0x38;
	[tilespmem:$0xD40] =	vst v63  }
0x40: {  	_ =	swait.ge [sflag:s16], $0x80  }
0x41: {  	[sflag:s16] =	ssyncset.done $0x0  }
0x42: {  	[sflag:s16] =	ssyncadd.s32 $0xFFFFFF80  }
0x43: {  	[tilespmem:s21], [sflag:$0x1] =	stream.linear.gather [hbm4b:s10+s3], $0x80, $0x38;
	[tilespmem:$0xD40] =	vst v63  }
0x44: {  	_ =	swait.ge [sflag:s16], $0x80  }
0x45: {  	[sflag:s16] =	ssyncset.done $0x0  }
0x46: {  	[sflag:s16] =	ssyncadd.s32 $0xFFFFFF80  }
0x47: {  	[tilespmem:s22], [sflag:$0x1] =	stream.linear.gather [hbm4b:s11+s3], $0x80, $0x38;
	[tilespmem:$0xD40] =	vst v63  }
0x48: {  	_ =	swait.ge [sflag:s16], $0x80  }
0x49: {  	[sflag:s16] =	ssyncset.done $0x0  }
0x4a: {  	[sflag:s16] =	ssyncadd.s32 $0xFFFFFF80  }
0x4b: {  	[tilespmem:s23], [sflag:$0x1] =	stream.linear.gather [hbm4b:s12+s3], $0x80, $0x38;
	[tilespmem:$0xD40] =	vst v63  }
0x4c: {  	_ =	swait.ge [sflag:s16], $0x80  }
0x4d: {  	[sflag:s16] =	ssyncset.done $0x0  }
0x4e: {  	s28 =	simm.s32 @!p0 $0x480;
	[sflag:s16] =	ssyncadd.s32 $0xFFFFFF80  }
0x4f: {  	[spmem:s2] =	stream.linear.scatter @!p0 [tilespmem:s28], [sflag:$0x1], $0x400, $0x38;
	[tilespmem:$0xD40] =	vst v63  }
0x50: {  	s28 =	simm.s32 @!p0 $0x1  }
0x51: {  	_ =	swait.ge @!p0 [sflag:s28], $0x400  }
0x52: {  	[sflag:s28] =	ssyncset.done @!p0 $0x0  }
0x53: {  	[sflag:s28] =	ssyncadd.s32 @!p0 $0xFFFFFC00  }
0x54: {  	s28 =	simm.s32 $0x0;
	[bflag:$0x0] =	sbarrier.arrive $0xFFFF  }
0x55: {  	[spmem:s2] =	stream.indirect.scatter.add.f32 [tilespmem:s24], [sflag:$0x1], $0x1, s28, s17, $0xb8;
	[tilespmem:$0xD40] =	vst v63  }
0x56: {  	_ =	swait.ge [sflag:s16], $0x80  }
0x57: {  	[sflag:s16] =	ssyncset.done $0x0  }
0x58: {  	[sflag:s16] =	ssyncadd.s32 $0xFFFFFF80  }
0x59: {  	[spmem:s2] =	stream.indirect.scatter.add.f32 [tilespmem:s24], [sflag:$0x1], $0x1, s17, s17, $0xb8;
	[tilespmem:$0xD40] =	vst v63  }
0x5a: {  	_ =	swait.ge [sflag:s16], $0x80  }
0x5b: {  	[sflag:s16] =	ssyncset.done $0x0  }
0x5c: {  	[sflag:s16] =	ssyncadd.s32 $0xFFFFFF80  }
0x5d: {  	[spmem:s2] =	stream.indirect.scatter.add.f32 [tilespmem:s24], [sflag:$0x1], $0x1, s18, s17, $0xb8;
	[tilespmem:$0xD40] =	vst v63  }
0x5e: {  	_ =	swait.ge [sflag:s16], $0x80  }
0x5f: {  	[sflag:s16] =	ssyncset.done $0x0  }
0x60: {  	[sflag:s16] =	ssyncadd.s32 $0xFFFFFF80  }
0x61: {  	[spmem:s2] =	stream.indirect.scatter.add.f32 [tilespmem:s24], [sflag:$0x1], $0x1, s19, s17, $0xb8;
	[tilespmem:$0xD40] =	vst v63  }
0x62: {  	_ =	swait.ge [sflag:s16], $0x80  }
0x63: {  	[sflag:s16] =	ssyncset.done $0x0  }
0x64: {  	[sflag:s16] =	ssyncadd.s32 $0xFFFFFF80  }
0x65: {  	[spmem:s2] =	stream.indirect.scatter.add.f32 [tilespmem:s24], [sflag:$0x1], $0x1, s20, s17, $0xb8;
	[tilespmem:$0xD40] =	vst v63  }
0x66: {  	_ =	swait.ge [sflag:s16], $0x80  }
0x67: {  	[sflag:s16] =	ssyncset.done $0x0  }
0x68: {  	[sflag:s16] =	ssyncadd.s32 $0xFFFFFF80  }
0x69: {  	[spmem:s2] =	stream.indirect.scatter.add.f32 [tilespmem:s24], [sflag:$0x1], $0x1, s21, s17, $0xb8;
	[tilespmem:$0xD40] =	vst v63  }
0x6a: {  	_ =	swait.ge [sflag:s16], $0x80  }
0x6b: {  	[sflag:s16] =	ssyncset.done $0x0  }
0x6c: {  	[sflag:s16] =	ssyncadd.s32 $0xFFFFFF80  }
0x6d: {  	[spmem:s2] =	stream.indirect.scatter.add.f32 [tilespmem:s24], [sflag:$0x1], $0x1, s22, s17, $0xb8;
	[tilespmem:$0xD40] =	vst v63  }
0x6e: {  	_ =	swait.ge [sflag:s16], $0x80  }
0x6f: {  	[sflag:s16] =	ssyncset.done $0x0  }
0x70: {  	[sflag:s16] =	ssyncadd.s32 $0xFFFFFF80  }
0x71: {  	[spmem:s2] =	stream.indirect.scatter.add.f32 [tilespmem:s24], [sflag:$0x1], $0x1, s23, s17, $0xb8;
	[tilespmem:$0xD40] =	vst v63  }
0x72: {  	_ =	swait.ge [sflag:s16], $0x80  }
0x73: {  	[sflag:s16] =	ssyncset.done $0x0  }
0x74: {  	[sflag:s16] =	ssyncadd.s32 $0xFFFFFF80  }
0x75: {  	s29 =	simm.s32 $0x480;
	[bflag:$0x0] =	sbarrier.arrive $0xFFFF  }
0x76: {  	[tilespmem:s29], [sflag:$0x1] =	stream.linear.gather [spmem:s2], $0x400, $0x38;
	[tilespmem:$0xD40] =	vst v63  }
0x77: {  	_ =	swait.ge [sflag:s16], $0x400  }
0x78: {  	[sflag:s16] =	ssyncset.done $0x0  }
0x79: {  	[sflag:s16] =	ssyncadd.s32 $0xFFFFFC00  }
0x7a: {  	[tilespmem:s26], [sflag:$0x1] =	stream.indirect.gather [spmem:s2], $0x1, s15, s17, $0xb8;
	[tilespmem:$0xD40] =	vst v63  }
0x7b: {  	_ =	swait.ge [sflag:s16], $0x80  }
0x7c: {  	[sflag:s16] =	ssyncset.done $0x0  }
0x7d: {  	s29 =	simm.s32 $0x940;
	[sflag:s16] =	ssyncadd.s32 $0xFFFFFF80  }
0x7e: {  	[tilespmem:s30], [sflag:$0x1] =	stream.indirect.gather [spmem:s2], $0x1, s29, s17, $0xb8;
	[tilespmem:$0xD40] =	vst v63  }
0x7f: {  	_ =	swait.ge [sflag:s16], $0x80  }
0x80: {  	[sflag:s16] =	ssyncset.done $0x0  }
0x81: {  	s29 =	simm.s32 $0x9C0;
	[sflag:s16] =	ssyncadd.s32 $0xFFFFFF80  }
0x82: {  	[tilespmem:s31], [sflag:$0x1] =	stream.indirect.gather [spmem:s2], $0x1, s29, s17, $0xb8;
	[tilespmem:$0xD40] =	vst v63  }
0x83: {  	_ =	swait.ge [sflag:s16], $0x80  }
0x84: {  	[sflag:s16] =	ssyncset.done $0x0  }
0x85: {  	[sflag:s16] =	ssyncadd.s32 $0xFFFFFF80  }
0x86: {  	[tilespmem:s1], [sflag:$0x1] =	stream.indirect.gather [spmem:s2], $0x1, s0, s17, $0xb8;
	[tilespmem:$0xD40] =	vst v63  }
0x87: {  	_ =	swait.ge [sflag:s16], $0x80  }
0x88: {  	[sflag:s16] =	ssyncset.done $0x0  }
.Ltmp3:
0x89: {  	[sflag:s16] =	ssyncadd.s32 $0xFFFFFF80;
	(pc) =	sbr.rel @p1 .LBB2_7-.Ltmp3, $4  }
0x8a: {  	[hbm4b:s13+s28] =	stream.linear.scatter [tilespmem:s26], [sflag:$0x1], $0x200, $0x38;
	[tilespmem:$0xD40] =	vst v63  }
0x8b: {  	_ =	swait.ge [sflag:s16], $0x200  }
0x8c: {  	[sflag:s16] =	ssyncset.done $0x0  }
0x8d: {  	[sflag:s16] =	ssyncadd.s32 $0xFFFFFE00  }
0x8e: {  	s29 =	simm.s32 $0x0  }
0x8f: {  	v3 =	vld [tilespmem:s29+$0x480]  }
0x90: {  	v2 =	vimm.f32 $0.0e+00;
	s28 =	simm.s32 $0x40  }
.LBB2_5:
0x91: {  	p2 =	sne.s32 s28, $0xFC0  }
.Ltmp4:
0x92: {  	_ = 	snop;
	(pc) =	sbr.rel @p2 .LBB2_5-.Ltmp4, $4  }
0x93: {  	_ = 	snop  }
0x94: {  	s29 =	sshra.s32 s28, $0x2;
	s28 =	sadd.s32 $0x40, s28;
	vm0 =	vgt.f32 v3, $0.0e+00  }
0x95: {  	v3 =	vld [tilespmem:s29+$0x480];
	v4 =	vsel vm0, $0x3F800000, v0  }
0x96: {  	v2 =	vadd.f32 v4, v2  }
.Ltmp5:
0x97: {  	_ = 	snop;
	(pc) =	sbr.rel .LBB2_6-.Ltmp5, $1  }
0x98: {  	_ =	sdelay $0x3  }
.LBB2_8:
0x99: {  	_ =	sfence.sel $0x180000  }
0x9a: {  	[bflag:$0x0] =	sbarrier.arrive $0xFFFF  }
0x9b: {  	_ =	strace $0x90000047  }
0x9c: {  	[bflag:$0x2] =	sbarrier.arrive $0xFFFF  }
0x9d: {  	s0 =	rddreg [dreg:$0x4]  }
0x9e: {  	s0 =	sadd.s32 @!p0 $0x100000, s0  }
0x9f: {  	[sflag:s0] =	ssyncadd.tile.s32 @!p0 $0x1;
	_ =	shalt  }
.Lfunc_end2:
_tile_overlayer_lowered:
.L_overlay_start_2:
0xa0: {  	(tag) =	ssettag $0x2  }
0xa1: {  	s0 =	rddreg [dreg:$0x0];
	s2 =	stileid.u32  }
0xa2: {  	s1 =	rddreg [dreg:$0x1];
	p0 =	sne.s32 s2, $0x0  }
0xa3: {  	s3 =	rddreg [dreg:$0x2];
	[bflag:$0x3] =	sbarrier.arrive $0xFFFF;
	s2 =	simm.s32 @!p0 $0x1C01  }
0xa4: {  	[timem:s3], [sflag:s2] =	dma.local @!p0 [hbm:s0], s1  }
0xa5: {  	s0 =	simm.s32 @!p0 $0x1  }
0xa6: {  	_ =	swait.ge @!p0 [sflag:s0], s1  }
0xa7: {  	s1 =	ssub.s32 @!p0 $0x0, s1;
	[sflag:s0] =	ssyncset.done @!p0 $0x0  }
0xa8: {  	[sflag:s0] =	ssyncadd.s32 @!p0 s1  }
0xa9: {  	[bflag:$0x3] =	sbarrier.arrive $0xFFFF  }
0xaa: {  	_ =	shalt  }

</sc_bundles>
